<compile_context>
chip_gen: v7x
topology: tpu7x:2x2x1
jax: 0.10.2.dev20260603
libtpu: 0.0.44.dev20260713+nightly
codegen_flags: <defaults>
</compile_context>

<pallas_src>
import functools

import jax
import jax.numpy as jnp
from jax import lax
from jax.experimental import pallas as pl
from jax.experimental.pallas import tpu as pltpu
from jax.experimental.pallas import tpu_sc as plsc

N_NODES = 10000
N_EDGES = 320000
D = 128

NC = 2
NS = 16
NW = NC * NS

E_PER_TILE = N_EDGES // NW
CHUNK = 80
N_CHUNKS = E_PER_TILE // CHUNK
NSTREAM = 4
N_ITERS = N_CHUNKS // NSTREAM
N_PAD = 10240
ROWS_PER_TILE = N_PAD // NS

_mesh = plsc.VectorSubcoreMesh(
    core_axis_name="c", subcore_axis_name="s", num_cores=NC, num_subcores=NS
)


@functools.partial(
    pl.kernel,
    out_type=(
        jax.ShapeDtypeStruct((NC, N_PAD, D), jnp.float32),
        jax.ShapeDtypeStruct((NC, N_PAD), jnp.float32),
    ),
    mesh=_mesh,
    compiler_params=pltpu.CompilerParams(
        needs_layout_passes=False, use_tc_tiling_on_sc=False
    ),
    scratch_types=[
        [pltpu.VMEM((CHUNK,), jnp.int32)] * NSTREAM,
        [pltpu.VMEM((CHUNK,), jnp.int32)] * NSTREAM,
        pltpu.VMEM((NSTREAM, CHUNK, D), jnp.float32),
        pltpu.VMEM((CHUNK,), jnp.float32),
        pltpu.VMEM_SHARED((N_PAD, D), jnp.float32),
        pltpu.VMEM_SHARED((N_PAD,), jnp.float32),
        [pltpu.SemaphoreType.DMA] * NSTREAM,
        [pltpu.SemaphoreType.DMA] * NSTREAM,
        pltpu.SemaphoreType.DMA,
    ],
)
def _sc_aggregate(feature, edges, zrows, zdeg, agg_out, deg_out,
                  sbufs, dbufs, rows, ones_v, acc, dacc,
                  isems, gsems, ssem):
    cid = lax.axis_index("c")
    sid = lax.axis_index("s")

    pltpu.sync_copy(zrows, acc.at[pl.ds(sid * ROWS_PER_TILE, ROWS_PER_TILE)])

    @pl.when(sid == 0)
    def _():
        pltpu.sync_copy(zdeg, dacc)

    ones16 = jnp.ones((16,), jnp.float32)
    for k in range(CHUNK // 16):
        ones_v[pl.ds(k * 16, 16)] = ones16

    plsc.subcore_barrier()

    ebase = (cid * NS + sid) * E_PER_TILE

    def _idx_start(c, j):
        base = ebase + c * CHUNK
        pltpu.async_copy(edges.at[0, pl.ds(base, CHUNK)], sbufs[j], isems[j])
        pltpu.async_copy(edges.at[1, pl.ds(base, CHUNK)], dbufs[j], isems[j])

    def _idx_wait(j):
        pltpu.make_async_copy(edges.at[0, pl.ds(0, CHUNK)], sbufs[j], isems[j]).wait()
        pltpu.make_async_copy(edges.at[1, pl.ds(0, CHUNK)], dbufs[j], isems[j]).wait()

    def _run_iter(c0, nstream):
        for j in range(nstream):
            _idx_start(c0 + j, j)
        gathers = []
        scatters = []
        for j in range(nstream):
            _idx_wait(j)
            gathers.append(
                pltpu.async_copy(feature.at[sbufs[j]], rows.at[j], gsems[j])
            )
            scatters.append(
                pltpu.async_copy(ones_v, dacc.at[dbufs[j]], ssem, add=True)
            )
        for j in range(nstream):
            gathers[j].wait()
            scatters.append(
                pltpu.async_copy(rows.at[j], acc.at[dbufs[j]], ssem, add=True)
            )
        for s in scatters:
            s.wait()

    def _iter(it, carry):
        _run_iter(it * NSTREAM, NSTREAM)
        return carry

    lax.fori_loop(0, N_ITERS, _iter, 0)
    _run_iter(N_ITERS * NSTREAM, N_CHUNKS - N_ITERS * NSTREAM)

    plsc.subcore_barrier()

    row0 = sid * ROWS_PER_TILE
    pltpu.sync_copy(
        acc.at[pl.ds(row0, ROWS_PER_TILE)],
        agg_out.at[cid, pl.ds(row0, ROWS_PER_TILE)],
    )

    @pl.when(sid == 0)
    def _():
        pltpu.sync_copy(dacc, deg_out.at[cid])


BLK = 2048


def _tc_finish(agg_ref, deg_ref, wt_ref, b_ref, out_ref):
    i = pl.multiple_of(pl.program_id(0) * BLK, 128)
    s = agg_ref[0] + agg_ref[1]
    deg = deg_ref[0, pl.ds(i, BLK)] + deg_ref[1, pl.ds(i, BLK)]
    h = s / jnp.maximum(deg, 1.0)[:, None]
    y = jnp.dot(h, wt_ref[...], preferred_element_type=jnp.float32)
    out_ref[...] = jnp.maximum(y + b_ref[...], 0.0)


def kernel(feature, edge_index, W, b):
    edges = edge_index.astype(jnp.int32)
    zrows = jnp.zeros((ROWS_PER_TILE, D), jnp.float32)
    zdeg = jnp.zeros((N_PAD,), jnp.float32)

    agg, degp = _sc_aggregate(feature, edges, zrows, zdeg)

    out = pl.pallas_call(
        _tc_finish,
        grid=(N_PAD // BLK,),
        in_specs=[
            pl.BlockSpec((NC, BLK, D), lambda i: (0, i, 0)),
            pl.BlockSpec((NC, N_PAD), lambda i: (0, 0)),
            pl.BlockSpec((D, D), lambda i: (0, 0)),
            pl.BlockSpec((1, D), lambda i: (0, 0)),
        ],
        out_specs=pl.BlockSpec((BLK, D), lambda i: (i, 0)),
        out_shape=jax.ShapeDtypeStruct((N_NODES, D), jnp.float32),
    )(agg, degp, W.T, b.reshape(1, D))
    return out

# --- scband reference (transcript-rebuilt; emitter-appended) ---
"""Pipeline reference for scband-gcn-31318901522707 (READ-ONLY COPY).

The authoritative reference and input builder live on the scoring server;
editing this copy changes nothing except your own understanding.
"""

import jax, jax.numpy as jnp
import numpy as np

N_NODES = 10000
N_EDGES = 320000
D_IN = 128
D_OUT = 128

def setup_inputs(seed: int = 0) -> dict:
    key = jax.random.key(seed)
    k1, k2, k3, k4 = jax.random.split(key, 4)
    feature = jax.random.normal(k1, (N_NODES, D_IN), dtype=jnp.float32)
    edge_index = jax.random.randint(k2, (2, N_EDGES), 0, N_NODES, dtype=jnp.int64)
    # nn.Linear(in_feats, out_feats) params
    bound = 1.0 / np.sqrt(D_IN)
    W = jax.random.uniform(k3, (D_OUT, D_IN), minval=-bound, maxval=bound, dtype=jnp.float32)
    b = jax.random.uniform(k4, (D_OUT,), minval=-bound, maxval=bound, dtype=jnp.float32)
    return {"feature": feature, "edge_index": edge_index, "W": W, "b": b}

def reference(feature, edge_index, W, b):
    src = edge_index[0]
    dst = edge_index[1]
    # gcn_msg = copy_src: gather source node features along edges
    msg = jnp.take(feature, src, axis=0)
    # gcn_reduce = mean over incoming messages per destination node
    agg_sum = jax.ops.segment_sum(msg, dst, num_segments=N_NODES)
    deg = jax.ops.segment_sum(jnp.ones((msg.shape[0],), dtype=feature.dtype), dst, num_segments=N_NODES)
    h = agg_sum / jnp.maximum(deg, 1.0)[:, None]
    # apply_nodes: Linear + activation
    out = h @ W.T + b
    out = jax.nn.relu(out)
    return out

if __name__ == "__main__":
    import jax
    _d = setup_inputs()
    print(jax.jit(kernel)(*tuple(_d.values())))

</pallas_src>

<mosaic_0001>
#map = affine_map<(d0, d1) -> (0, 0)>
#map1 = affine_map<(d0, d1) -> (0)>
#map2 = affine_map<(d0, d1) -> (0, 0, 0)>
module attributes {stable_mosaic.version = 14 : i64} {
  func.func @_sc_aggregate(%arg0: i32, %arg1: i32, %arg2: memref<10000x128xf32, #tpu.memory_space<hbm>>, %arg3: memref<2x320000xi32, #tpu.memory_space<hbm>>, %arg4: memref<640x128xf32, #tpu.memory_space<hbm>>, %arg5: memref<10240xf32, #tpu.memory_space<hbm>>, %arg6: memref<2x10240x128xf32, #tpu.memory_space<hbm>>, %arg7: memref<2x10240xf32, #tpu.memory_space<hbm>>, %arg8: memref<80xi32, #tpu.memory_space<vmem>>, %arg9: memref<80xi32, #tpu.memory_space<vmem>>, %arg10: memref<80xi32, #tpu.memory_space<vmem>>, %arg11: memref<80xi32, #tpu.memory_space<vmem>>, %arg12: memref<80xi32, #tpu.memory_space<vmem>>, %arg13: memref<80xi32, #tpu.memory_space<vmem>>, %arg14: memref<80xi32, #tpu.memory_space<vmem>>, %arg15: memref<80xi32, #tpu.memory_space<vmem>>, %arg16: memref<4x80x128xf32, #tpu.memory_space<vmem>>, %arg17: memref<80xf32, #tpu.memory_space<vmem>>, %arg18: memref<10240x128xf32, #tpu.memory_space<vmem_shared>>, %arg19: memref<10240xf32, #tpu.memory_space<vmem_shared>>, %arg20: memref<!tpu.dma_semaphore, #tpu.memory_space<semaphore_mem>>, %arg21: memref<!tpu.dma_semaphore, #tpu.memory_space<semaphore_mem>>, %arg22: memref<!tpu.dma_semaphore, #tpu.memory_space<semaphore_mem>>, %arg23: memref<!tpu.dma_semaphore, #tpu.memory_space<semaphore_mem>>, %arg24: memref<!tpu.dma_semaphore, #tpu.memory_space<semaphore_mem>>, %arg25: memref<!tpu.dma_semaphore, #tpu.memory_space<semaphore_mem>>, %arg26: memref<!tpu.dma_semaphore, #tpu.memory_space<semaphore_mem>>, %arg27: memref<!tpu.dma_semaphore, #tpu.memory_space<semaphore_mem>>, %arg28: memref<!tpu.dma_semaphore, #tpu.memory_space<semaphore_mem>>) attributes {dimension_semantics = [#tpu.dimension_semantics<core_parallel>, #tpu.dimension_semantics<subcore_parallel>], iteration_bounds = array<i64: 2, 16>, scalar_prefetch = 0 : i64, scratch_operands = 21 : i64, tpu.core_type = #tpu.core_type<sc_vector_subcore>, window_params = [{transform_indices = #map}, {transform_indices = #map}, {transform_indices = #map}, {transform_indices = #map1}, {transform_indices = #map2}, {transform_indices = #map}]} {
    %mul3A = arith.constant 640 : i32
    %mul3A_0 = arith.muli %arg1, %mul3A : i32
    "tpu.region"() ({
      %run_scoped3A = tpu.sem_alloc : memref<!tpu.dma_semaphore, #tpu.memory_space<semaphore_mem>>
      %dma_start3A_90 = arith.constant 0 : i32
      %dma_start3A_91 = tpu.memref_slice %arg18[%mul3A_0, %dma_start3A_90] : memref<10240x128xf32, #tpu.memory_space<vmem_shared>> -> memref<640x128xf32, #tpu.memory_space<vmem_shared>>
      tpu.enqueue_dma source(%arg4 : memref<640x128xf32, #tpu.memory_space<hbm>>) target(%dma_start3A_91 : memref<640x128xf32, #tpu.memory_space<vmem_shared>>) target_semaphore(%run_scoped3A : memref<!tpu.dma_semaphore, #tpu.memory_space<semaphore_mem>>)
      %dma_wait3A_92 = arith.constant 0 : i32
      %dma_wait3A_93 = tpu.memref_slice %arg18[%mul3A_0, %dma_wait3A_92] : memref<10240x128xf32, #tpu.memory_space<vmem_shared>> -> memref<640x128xf32, #tpu.memory_space<vmem_shared>>
      tpu.wait_dma2 semaphore(%run_scoped3A : memref<!tpu.dma_semaphore, #tpu.memory_space<semaphore_mem>>) src(%arg4 : memref<640x128xf32, #tpu.memory_space<hbm>>) dst(%dma_wait3A_93 : memref<640x128xf32, #tpu.memory_space<vmem_shared>>)
      tpu.yield
    }) : () -> ()
    %eq3A = arith.constant 0 : i32
    %eq3A_1 = arith.cmpi eq, %arg1, %eq3A : i32
    %convert_element_type3A = arith.extui %eq3A_1 : i1 to i32
    %cond3A = arith.constant 0 : i32
    %cond3A_2 = arith.cmpi ne, %convert_element_type3A, %cond3A : i32
    scf.if %cond3A_2 {
      "tpu.region"() ({
        %run_scoped3A = tpu.sem_alloc : memref<!tpu.dma_semaphore, #tpu.memory_space<semaphore_mem>>
        tpu.enqueue_dma source(%arg5 : memref<10240xf32, #tpu.memory_space<hbm>>) target(%arg19 : memref<10240xf32, #tpu.memory_space<vmem_shared>>) target_semaphore(%run_scoped3A : memref<!tpu.dma_semaphore, #tpu.memory_space<semaphore_mem>>)
        tpu.wait_dma2 semaphore(%run_scoped3A : memref<!tpu.dma_semaphore, #tpu.memory_space<semaphore_mem>>) src(%arg5 : memref<10240xf32, #tpu.memory_space<hbm>>) dst(%arg19 : memref<10240xf32, #tpu.memory_space<vmem_shared>>)
        tpu.yield
      }) : () -> ()
    } else {
    }
    %broadcast_in_dim3A = arith.constant 1.000000e+00 : f32
    %broadcast_in_dim3A_3 = vector.broadcast %broadcast_in_dim3A : f32 to vector<16xf32>
    %swap3A = arith.constant 0 : index
    %swap3A_4 = tpu.vector_load %arg17[%swap3A] {strides = array<i32>} : memref<80xf32, #tpu.memory_space<vmem>>, vector<16xf32>,
    tpu.vector_store %arg17[%swap3A], %broadcast_in_dim3A_3 {strides = array<i32>} : memref<80xf32, #tpu.memory_space<vmem>>, vector<16xf32>,
    %swap3A_5 = arith.constant 16 : index
    %swap3A_6 = tpu.vector_load %arg17[%swap3A_5] {strides = array<i32>} : memref<80xf32, #tpu.memory_space<vmem>>, vector<16xf32>,
    tpu.vector_store %arg17[%swap3A_5], %broadcast_in_dim3A_3 {strides = array<i32>} : memref<80xf32, #tpu.memory_space<vmem>>, vector<16xf32>,
    %swap3A_7 = arith.constant 32 : index
    %swap3A_8 = tpu.vector_load %arg17[%swap3A_7] {strides = array<i32>} : memref<80xf32, #tpu.memory_space<vmem>>, vector<16xf32>,
    tpu.vector_store %arg17[%swap3A_7], %broadcast_in_dim3A_3 {strides = array<i32>} : memref<80xf32, #tpu.memory_space<vmem>>, vector<16xf32>,
    %swap3A_9 = arith.constant 48 : index
    %swap3A_10 = tpu.vector_load %arg17[%swap3A_9] {strides = array<i32>} : memref<80xf32, #tpu.memory_space<vmem>>, vector<16xf32>,
    tpu.vector_store %arg17[%swap3A_9], %broadcast_in_dim3A_3 {strides = array<i32>} : memref<80xf32, #tpu.memory_space<vmem>>, vector<16xf32>,
    %swap3A_11 = arith.constant 64 : index
    %swap3A_12 = tpu.vector_load %arg17[%swap3A_11] {strides = array<i32>} : memref<80xf32, #tpu.memory_space<vmem>>, vector<16xf32>,
    tpu.vector_store %arg17[%swap3A_11], %broadcast_in_dim3A_3 {strides = array<i32>} : memref<80xf32, #tpu.memory_space<vmem>>, vector<16xf32>,
    %barrier3A = arith.constant 0 : index
    tpu.barrier barrier_id(%barrier3A)
    %mul3A_13 = arith.constant 16 : i32
    %mul3A_14 = arith.muli %arg0, %mul3A_13 : i32
    %add3A = arith.addi %mul3A_14, %arg1 : i32
    %mul3A_15 = arith.constant 10000 : i32
    %mul3A_16 = arith.muli %add3A, %mul3A_15 : i32
    %scan3A = arith.constant 0 : i32
    %scan3A_17 = arith.constant 0 : i32
    %scan3A_18 = arith.constant 31 : i32
    %scan3A_19 = arith.addi %scan3A_17, %scan3A_18 : i32
    %scan3A_20 = arith.constant 1 : i32
    scf.for %scan3A_90 = %scan3A_17 to %scan3A_19 step %scan3A_20  : i32 {
      %mul3A_91 = arith.constant 4 : i32
      %mul3A_92 = arith.muli %scan3A_90, %mul3A_91 : i32
      %add3A_93 = arith.constant 0 : i32
      %add3A_94 = arith.addi %mul3A_92, %add3A_93 : i32
      %mul3A_95 = arith.constant 80 : i32
      %mul3A_96 = arith.muli %add3A_94, %mul3A_95 : i32
      %add3A_97 = arith.addi %mul3A_16, %mul3A_96 : i32
      %dma_start3A_98 = arith.constant 0 : i32
      %dma_start3A_99 = tpu.memref_slice %arg3[%dma_start3A_98, %add3A_97] : memref<2x320000xi32, #tpu.memory_space<hbm>> -> memref<1x80xi32, #tpu.memory_space<hbm>>
      %dma_start3A_100 = tpu.memref_squeeze %dma_start3A_99 : memref<1x80xi32, #tpu.memory_space<hbm>> -> memref<80xi32, #tpu.memory_space<hbm>>
      %dma_start3A_101 = tpu.memref_slice %arg3[%dma_start3A_98, %add3A_97] : memref<2x320000xi32, #tpu.memory_space<hbm>> -> memref<1x80xi32, #tpu.memory_space<hbm>>
      %dma_start3A_102 = tpu.memref_squeeze %dma_start3A_101 : memref<1x80xi32, #tpu.memory_space<hbm>> -> memref<80xi32, #tpu.memory_space<hbm>>
      tpu.enqueue_dma source(%dma_start3A_102 : memref<80xi32, #tpu.memory_space<hbm>>) target(%arg8 : memref<80xi32, #tpu.memory_space<vmem>>) target_semaphore(%arg20 : memref<!tpu.dma_semaphore, #tpu.memory_space<semaphore_mem>>)
      %dma_start3A_103 = arith.constant 1 : i32
      %dma_start3A_104 = tpu.memref_slice %arg3[%dma_start3A_103, %add3A_97] : memref<2x320000xi32, #tpu.memory_space<hbm>> -> memref<1x80xi32, #tpu.memory_space<hbm>>
      %dma_start3A_105 = tpu.memref_squeeze %dma_start3A_104 : memref<1x80xi32, #tpu.memory_space<hbm>> -> memref<80xi32, #tpu.memory_space<hbm>>
      %dma_start3A_106 = tpu.memref_slice %arg3[%dma_start3A_103, %add3A_97] : memref<2x320000xi32, #tpu.memory_space<hbm>> -> memref<1x80xi32, #tpu.memory_space<hbm>>
      %dma_start3A_107 = tpu.memref_squeeze %dma_start3A_106 : memref<1x80xi32, #tpu.memory_space<hbm>> -> memref<80xi32, #tpu.memory_space<hbm>>
      tpu.enqueue_dma source(%dma_start3A_107 : memref<80xi32, #tpu.memory_space<hbm>>) target(%arg12 : memref<80xi32, #tpu.memory_space<vmem>>) target_semaphore(%arg20 : memref<!tpu.dma_semaphore, #tpu.memory_space<semaphore_mem>>)
      %add3A_108 = arith.constant 1 : i32
      %add3A_109 = arith.addi %mul3A_92, %add3A_108 : i32
      %mul3A_110 = arith.constant 80 : i32
      %mul3A_111 = arith.muli %add3A_109, %mul3A_110 : i32
      %add3A_112 = arith.addi %mul3A_16, %mul3A_111 : i32
      %dma_start3A_113 = arith.constant 0 : i32
      %dma_start3A_114 = tpu.memref_slice %arg3[%dma_start3A_113, %add3A_112] : memref<2x320000xi32, #tpu.memory_space<hbm>> -> memref<1x80xi32, #tpu.memory_space<hbm>>
      %dma_start3A_115 = tpu.memref_squeeze %dma_start3A_114 : memref<1x80xi32, #tpu.memory_space<hbm>> -> memref<80xi32, #tpu.memory_space<hbm>>
      %dma_start3A_116 = tpu.memref_slice %arg3[%dma_start3A_113, %add3A_112] : memref<2x320000xi32, #tpu.memory_space<hbm>> -> memref<1x80xi32, #tpu.memory_space<hbm>>
      %dma_start3A_117 = tpu.memref_squeeze %dma_start3A_116 : memref<1x80xi32, #tpu.memory_space<hbm>> -> memref<80xi32, #tpu.memory_space<hbm>>
      tpu.enqueue_dma source(%dma_start3A_117 : memref<80xi32, #tpu.memory_space<hbm>>) target(%arg9 : memref<80xi32, #tpu.memory_space<vmem>>) target_semaphore(%arg21 : memref<!tpu.dma_semaphore, #tpu.memory_space<semaphore_mem>>)
      %dma_start3A_118 = arith.constant 1 : i32
      %dma_start3A_119 = tpu.memref_slice %arg3[%dma_start3A_118, %add3A_112] : memref<2x320000xi32, #tpu.memory_space<hbm>> -> memref<1x80xi32, #tpu.memory_space<hbm>>
      %dma_start3A_120 = tpu.memref_squeeze %dma_start3A_119 : memref<1x80xi32, #tpu.memory_space<hbm>> -> memref<80xi32, #tpu.memory_space<hbm>>
      %dma_start3A_121 = tpu.memref_slice %arg3[%dma_start3A_118, %add3A_112] : memref<2x320000xi32, #tpu.memory_space<hbm>> -> memref<1x80xi32, #tpu.memory_space<hbm>>
      %dma_start3A_122 = tpu.memref_squeeze %dma_start3A_121 : memref<1x80xi32, #tpu.memory_space<hbm>> -> memref<80xi32, #tpu.memory_space<hbm>>
      tpu.enqueue_dma source(%dma_start3A_122 : memref<80xi32, #tpu.memory_space<hbm>>) target(%arg13 : memref<80xi32, #tpu.memory_space<vmem>>) target_semaphore(%arg21 : memref<!tpu.dma_semaphore, #tpu.memory_space<semaphore_mem>>)
      %add3A_123 = arith.constant 2 : i32
      %add3A_124 = arith.addi %mul3A_92, %add3A_123 : i32
      %mul3A_125 = arith.constant 80 : i32
      %mul3A_126 = arith.muli %add3A_124, %mul3A_125 : i32
      %add3A_127 = arith.addi %mul3A_16, %mul3A_126 : i32
      %dma_start3A_128 = arith.constant 0 : i32
      %dma_start3A_129 = tpu.memref_slice %arg3[%dma_start3A_128, %add3A_127] : memref<2x320000xi32, #tpu.memory_space<hbm>> -> memref<1x80xi32, #tpu.memory_space<hbm>>
      %dma_start3A_130 = tpu.memref_squeeze %dma_start3A_129 : memref<1x80xi32, #tpu.memory_space<hbm>> -> memref<80xi32, #tpu.memory_space<hbm>>
      %dma_start3A_131 = tpu.memref_slice %arg3[%dma_start3A_128, %add3A_127] : memref<2x320000xi32, #tpu.memory_space<hbm>> -> memref<1x80xi32, #tpu.memory_space<hbm>>
      %dma_start3A_132 = tpu.memref_squeeze %dma_start3A_131 : memref<1x80xi32, #tpu.memory_space<hbm>> -> memref<80xi32, #tpu.memory_space<hbm>>
      tpu.enqueue_dma source(%dma_start3A_132 : memref<80xi32, #tpu.memory_space<hbm>>) target(%arg10 : memref<80xi32, #tpu.memory_space<vmem>>) target_semaphore(%arg22 : memref<!tpu.dma_semaphore, #tpu.memory_space<semaphore_mem>>)
      %dma_start3A_133 = arith.constant 1 : i32
      %dma_start3A_134 = tpu.memref_slice %arg3[%dma_start3A_133, %add3A_127] : memref<2x320000xi32, #tpu.memory_space<hbm>> -> memref<1x80xi32, #tpu.memory_space<hbm>>
      %dma_start3A_135 = tpu.memref_squeeze %dma_start3A_134 : memref<1x80xi32, #tpu.memory_space<hbm>> -> memref<80xi32, #tpu.memory_space<hbm>>
      %dma_start3A_136 = tpu.memref_slice %arg3[%dma_start3A_133, %add3A_127] : memref<2x320000xi32, #tpu.memory_space<hbm>> -> memref<1x80xi32, #tpu.memory_space<hbm>>
      %dma_start3A_137 = tpu.memref_squeeze %dma_start3A_136 : memref<1x80xi32, #tpu.memory_space<hbm>> -> memref<80xi32, #tpu.memory_space<hbm>>
      tpu.enqueue_dma source(%dma_start3A_137 : memref<80xi32, #tpu.memory_space<hbm>>) target(%arg14 : memref<80xi32, #tpu.memory_space<vmem>>) target_semaphore(%arg22 : memref<!tpu.dma_semaphore, #tpu.memory_space<semaphore_mem>>)
      %add3A_138 = arith.constant 3 : i32
      %add3A_139 = arith.addi %mul3A_92, %add3A_138 : i32
      %mul3A_140 = arith.constant 80 : i32
      %mul3A_141 = arith.muli %add3A_139, %mul3A_140 : i32
      %add3A_142 = arith.addi %mul3A_16, %mul3A_141 : i32
      %dma_start3A_143 = arith.constant 0 : i32
      %dma_start3A_144 = tpu.memref_slice %arg3[%dma_start3A_143, %add3A_142] : memref<2x320000xi32, #tpu.memory_space<hbm>> -> memref<1x80xi32, #tpu.memory_space<hbm>>
      %dma_start3A_145 = tpu.memref_squeeze %dma_start3A_144 : memref<1x80xi32, #tpu.memory_space<hbm>> -> memref<80xi32, #tpu.memory_space<hbm>>
      %dma_start3A_146 = tpu.memref_slice %arg3[%dma_start3A_143, %add3A_142] : memref<2x320000xi32, #tpu.memory_space<hbm>> -> memref<1x80xi32, #tpu.memory_space<hbm>>
      %dma_start3A_147 = tpu.memref_squeeze %dma_start3A_146 : memref<1x80xi32, #tpu.memory_space<hbm>> -> memref<80xi32, #tpu.memory_space<hbm>>
      tpu.enqueue_dma source(%dma_start3A_147 : memref<80xi32, #tpu.memory_space<hbm>>) target(%arg11 : memref<80xi32, #tpu.memory_space<vmem>>) target_semaphore(%arg23 : memref<!tpu.dma_semaphore, #tpu.memory_space<semaphore_mem>>)
      %dma_start3A_148 = arith.constant 1 : i32
      %dma_start3A_149 = tpu.memref_slice %arg3[%dma_start3A_148, %add3A_142] : memref<2x320000xi32, #tpu.memory_space<hbm>> -> memref<1x80xi32, #tpu.memory_space<hbm>>
      %dma_start3A_150 = tpu.memref_squeeze %dma_start3A_149 : memref<1x80xi32, #tpu.memory_space<hbm>> -> memref<80xi32, #tpu.memory_space<hbm>>
      %dma_start3A_151 = tpu.memref_slice %arg3[%dma_start3A_148, %add3A_142] : memref<2x320000xi32, #tpu.memory_space<hbm>> -> memref<1x80xi32, #tpu.memory_space<hbm>>
      %dma_start3A_152 = tpu.memref_squeeze %dma_start3A_151 : memref<1x80xi32, #tpu.memory_space<hbm>> -> memref<80xi32, #tpu.memory_space<hbm>>
      tpu.enqueue_dma source(%dma_start3A_152 : memref<80xi32, #tpu.memory_space<hbm>>) target(%arg15 : memref<80xi32, #tpu.memory_space<vmem>>) target_semaphore(%arg23 : memref<!tpu.dma_semaphore, #tpu.memory_space<semaphore_mem>>)
      %dma_wait3A_153 = arith.constant 0 : i32
      %dma_wait3A_154 = arith.constant 0 : i32
      %dma_wait3A_155 = tpu.memref_slice %arg3[%dma_wait3A_153, %dma_wait3A_154] : memref<2x320000xi32, #tpu.memory_space<hbm>> -> memref<1x80xi32, #tpu.memory_space<hbm>>
      %dma_wait3A_156 = tpu.memref_squeeze %dma_wait3A_155 : memref<1x80xi32, #tpu.memory_space<hbm>> -> memref<80xi32, #tpu.memory_space<hbm>>
      %dma_wait3A_157 = arith.constant 0 : i32
      %dma_wait3A_158 = tpu.memref_slice %arg3[%dma_wait3A_153, %dma_wait3A_157] : memref<2x320000xi32, #tpu.memory_space<hbm>> -> memref<1x80xi32, #tpu.memory_space<hbm>>
      %dma_wait3A_159 = tpu.memref_squeeze %dma_wait3A_158 : memref<1x80xi32, #tpu.memory_space<hbm>> -> memref<80xi32, #tpu.memory_space<hbm>>
      tpu.wait_dma2 semaphore(%arg20 : memref<!tpu.dma_semaphore, #tpu.memory_space<semaphore_mem>>) src(%dma_wait3A_159 : memref<80xi32, #tpu.memory_space<hbm>>) dst(%arg8 : memref<80xi32, #tpu.memory_space<vmem>>)
      %dma_wait3A_160 = arith.constant 1 : i32
      %dma_wait3A_161 = arith.constant 0 : i32
      %dma_wait3A_162 = tpu.memref_slice %arg3[%dma_wait3A_160, %dma_wait3A_161] : memref<2x320000xi32, #tpu.memory_space<hbm>> -> memref<1x80xi32, #tpu.memory_space<hbm>>
      %dma_wait3A_163 = tpu.memref_squeeze %dma_wait3A_162 : memref<1x80xi32, #tpu.memory_space<hbm>> -> memref<80xi32, #tpu.memory_space<hbm>>
      %dma_wait3A_164 = arith.constant 0 : i32
      %dma_wait3A_165 = tpu.memref_slice %arg3[%dma_wait3A_160, %dma_wait3A_164] : memref<2x320000xi32, #tpu.memory_space<hbm>> -> memref<1x80xi32, #tpu.memory_space<hbm>>
      %dma_wait3A_166 = tpu.memref_squeeze %dma_wait3A_165 : memref<1x80xi32, #tpu.memory_space<hbm>> -> memref<80xi32, #tpu.memory_space<hbm>>
      tpu.wait_dma2 semaphore(%arg20 : memref<!tpu.dma_semaphore, #tpu.memory_space<semaphore_mem>>) src(%dma_wait3A_166 : memref<80xi32, #tpu.memory_space<hbm>>) dst(%arg12 : memref<80xi32, #tpu.memory_space<vmem>>)
      %dma_start3A_167 = arith.constant 0 : i32
      %dma_start3A_168 = arith.constant 0 : i32
      %dma_start3A_169 = arith.constant 0 : i32
      %dma_start3A_170 = tpu.memref_slice %arg16[%dma_start3A_167, %dma_start3A_168, %dma_start3A_169] : memref<4x80x128xf32, #tpu.memory_space<vmem>> -> memref<1x80x128xf32, #tpu.memory_space<vmem>>
      %dma_start3A_171 = tpu.memref_squeeze %dma_start3A_170 : memref<1x80x128xf32, #tpu.memory_space<vmem>> -> memref<80x128xf32, #tpu.memory_space<vmem>>
      %dma_start3A_172 = arith.constant 0 : i32
      %dma_start3A_173 = arith.constant 0 : i32
      %dma_start3A_174 = tpu.memref_slice %arg2[%dma_start3A_172, %dma_start3A_173] : memref<10000x128xf32, #tpu.memory_space<hbm>> -> memref<10000x128xf32, #tpu.memory_space<hbm>>
      tpu.enqueue_indirect_dma source(%dma_start3A_174 : memref<10000x128xf32, #tpu.memory_space<hbm>>) target(%dma_start3A_171 : memref<80x128xf32, #tpu.memory_space<vmem>>) offsets(%arg8 : memref<80xi32, #tpu.memory_space<vmem>>) semaphore(%arg24 : memref<!tpu.dma_semaphore, #tpu.memory_space<semaphore_mem>>)
      %dma_start3A_175 = arith.constant 0 : i32
      %dma_start3A_176 = tpu.memref_slice %arg19[%dma_start3A_175] : memref<10240xf32, #tpu.memory_space<vmem_shared>> -> memref<10240xf32, #tpu.memory_space<vmem_shared>>
      tpu.enqueue_indirect_dma source(%arg17 : memref<80xf32, #tpu.memory_space<vmem>>) target(%dma_start3A_176 : memref<10240xf32, #tpu.memory_space<vmem_shared>>) offsets(%arg12 : memref<80xi32, #tpu.memory_space<vmem>>) semaphore(%arg28 : memref<!tpu.dma_semaphore, #tpu.memory_space<semaphore_mem>>) {add = true}
      %dma_wait3A_177 = arith.constant 0 : i32
      %dma_wait3A_178 = arith.constant 0 : i32
      %dma_wait3A_179 = tpu.memref_slice %arg3[%dma_wait3A_177, %dma_wait3A_178] : memref<2x320000xi32, #tpu.memory_space<hbm>> -> memref<1x80xi32, #tpu.memory_space<hbm>>
      %dma_wait3A_180 = tpu.memref_squeeze %dma_wait3A_179 : memref<1x80xi32, #tpu.memory_space<hbm>> -> memref<80xi32, #tpu.memory_space<hbm>>
      %dma_wait3A_181 = arith.constant 0 : i32
      %dma_wait3A_182 = tpu.memref_slice %arg3[%dma_wait3A_177, %dma_wait3A_181] : memref<2x320000xi32, #tpu.memory_space<hbm>> -> memref<1x80xi32, #tpu.memory_space<hbm>>
      %dma_wait3A_183 = tpu.memref_squeeze %dma_wait3A_182 : memref<1x80xi32, #tpu.memory_space<hbm>> -> memref<80xi32, #tpu.memory_space<hbm>>
      tpu.wait_dma2 semaphore(%arg21 : memref<!tpu.dma_semaphore, #tpu.memory_space<semaphore_mem>>) src(%dma_wait3A_183 : memref<80xi32, #tpu.memory_space<hbm>>) dst(%arg9 : memref<80xi32, #tpu.memory_space<vmem>>)
      %dma_wait3A_184 = arith.constant 1 : i32
      %dma_wait3A_185 = arith.constant 0 : i32
      %dma_wait3A_186 = tpu.memref_slice %arg3[%dma_wait3A_184, %dma_wait3A_185] : memref<2x320000xi32, #tpu.memory_space<hbm>> -> memref<1x80xi32, #tpu.memory_space<hbm>>
      %dma_wait3A_187 = tpu.memref_squeeze %dma_wait3A_186 : memref<1x80xi32, #tpu.memory_space<hbm>> -> memref<80xi32, #tpu.memory_space<hbm>>
      %dma_wait3A_188 = arith.constant 0 : i32
      %dma_wait3A_189 = tpu.memref_slice %arg3[%dma_wait3A_184, %dma_wait3A_188] : memref<2x320000xi32, #tpu.memory_space<hbm>> -> memref<1x80xi32, #tpu.memory_space<hbm>>
      %dma_wait3A_190 = tpu.memref_squeeze %dma_wait3A_189 : memref<1x80xi32, #tpu.memory_space<hbm>> -> memref<80xi32, #tpu.memory_space<hbm>>
      tpu.wait_dma2 semaphore(%arg21 : memref<!tpu.dma_semaphore, #tpu.memory_space<semaphore_mem>>) src(%dma_wait3A_190 : memref<80xi32, #tpu.memory_space<hbm>>) dst(%arg13 : memref<80xi32, #tpu.memory_space<vmem>>)
      %dma_start3A_191 = arith.constant 1 : i32
      %dma_start3A_192 = arith.constant 0 : i32
      %dma_start3A_193 = arith.constant 0 : i32
      %dma_start3A_194 = tpu.memref_slice %arg16[%dma_start3A_191, %dma_start3A_192, %dma_start3A_193] : memref<4x80x128xf32, #tpu.memory_space<vmem>> -> memref<1x80x128xf32, #tpu.memory_space<vmem>>
      %dma_start3A_195 = tpu.memref_squeeze %dma_start3A_194 : memref<1x80x128xf32, #tpu.memory_space<vmem>> -> memref<80x128xf32, #tpu.memory_space<vmem>>
      %dma_start3A_196 = arith.constant 0 : i32
      %dma_start3A_197 = arith.constant 0 : i32
      %dma_start3A_198 = tpu.memref_slice %arg2[%dma_start3A_196, %dma_start3A_197] : memref<10000x128xf32, #tpu.memory_space<hbm>> -> memref<10000x128xf32, #tpu.memory_space<hbm>>
      tpu.enqueue_indirect_dma source(%dma_start3A_198 : memref<10000x128xf32, #tpu.memory_space<hbm>>) target(%dma_start3A_195 : memref<80x128xf32, #tpu.memory_space<vmem>>) offsets(%arg9 : memref<80xi32, #tpu.memory_space<vmem>>) semaphore(%arg25 : memref<!tpu.dma_semaphore, #tpu.memory_space<semaphore_mem>>)
      %dma_start3A_199 = arith.constant 0 : i32
      %dma_start3A_200 = tpu.memref_slice %arg19[%dma_start3A_199] : memref<10240xf32, #tpu.memory_space<vmem_shared>> -> memref<10240xf32, #tpu.memory_space<vmem_shared>>
      tpu.enqueue_indirect_dma source(%arg17 : memref<80xf32, #tpu.memory_space<vmem>>) target(%dma_start3A_200 : memref<10240xf32, #tpu.memory_space<vmem_shared>>) offsets(%arg13 : memref<80xi32, #tpu.memory_space<vmem>>) semaphore(%arg28 : memref<!tpu.dma_semaphore, #tpu.memory_space<semaphore_mem>>) {add = true}
      %dma_wait3A_201 = arith.constant 0 : i32
      %dma_wait3A_202 = arith.constant 0 : i32
      %dma_wait3A_203 = tpu.memref_slice %arg3[%dma_wait3A_201, %dma_wait3A_202] : memref<2x320000xi32, #tpu.memory_space<hbm>> -> memref<1x80xi32, #tpu.memory_space<hbm>>
      %dma_wait3A_204 = tpu.memref_squeeze %dma_wait3A_203 : memref<1x80xi32, #tpu.memory_space<hbm>> -> memref<80xi32, #tpu.memory_space<hbm>>
      %dma_wait3A_205 = arith.constant 0 : i32
      %dma_wait3A_206 = tpu.memref_slice %arg3[%dma_wait3A_201, %dma_wait3A_205] : memref<2x320000xi32, #tpu.memory_space<hbm>> -> memref<1x80xi32, #tpu.memory_space<hbm>>
      %dma_wait3A_207 = tpu.memref_squeeze %dma_wait3A_206 : memref<1x80xi32, #tpu.memory_space<hbm>> -> memref<80xi32, #tpu.memory_space<hbm>>
      tpu.wait_dma2 semaphore(%arg22 : memref<!tpu.dma_semaphore, #tpu.memory_space<semaphore_mem>>) src(%dma_wait3A_207 : memref<80xi32, #tpu.memory_space<hbm>>) dst(%arg10 : memref<80xi32, #tpu.memory_space<vmem>>)
      %dma_wait3A_208 = arith.constant 1 : i32
      %dma_wait3A_209 = arith.constant 0 : i32
      %dma_wait3A_210 = tpu.memref_slice %arg3[%dma_wait3A_208, %dma_wait3A_209] : memref<2x320000xi32, #tpu.memory_space<hbm>> -> memref<1x80xi32, #tpu.memory_space<hbm>>
      %dma_wait3A_211 = tpu.memref_squeeze %dma_wait3A_210 : memref<1x80xi32, #tpu.memory_space<hbm>> -> memref<80xi32, #tpu.memory_space<hbm>>
      %dma_wait3A_212 = arith.constant 0 : i32
      %dma_wait3A_213 = tpu.memref_slice %arg3[%dma_wait3A_208, %dma_wait3A_212] : memref<2x320000xi32, #tpu.memory_space<hbm>> -> memref<1x80xi32, #tpu.memory_space<hbm>>
      %dma_wait3A_214 = tpu.memref_squeeze %dma_wait3A_213 : memref<1x80xi32, #tpu.memory_space<hbm>> -> memref<80xi32, #tpu.memory_space<hbm>>
      tpu.wait_dma2 semaphore(%arg22 : memref<!tpu.dma_semaphore, #tpu.memory_space<semaphore_mem>>) src(%dma_wait3A_214 : memref<80xi32, #tpu.memory_space<hbm>>) dst(%arg14 : memref<80xi32, #tpu.memory_space<vmem>>)
      %dma_start3A_215 = arith.constant 2 : i32
      %dma_start3A_216 = arith.constant 0 : i32
      %dma_start3A_217 = arith.constant 0 : i32
      %dma_start3A_218 = tpu.memref_slice %arg16[%dma_start3A_215, %dma_start3A_216, %dma_start3A_217] : memref<4x80x128xf32, #tpu.memory_space<vmem>> -> memref<1x80x128xf32, #tpu.memory_space<vmem>>
      %dma_start3A_219 = tpu.memref_squeeze %dma_start3A_218 : memref<1x80x128xf32, #tpu.memory_space<vmem>> -> memref<80x128xf32, #tpu.memory_space<vmem>>
      %dma_start3A_220 = arith.constant 0 : i32
      %dma_start3A_221 = arith.constant 0 : i32
      %dma_start3A_222 = tpu.memref_slice %arg2[%dma_start3A_220, %dma_start3A_221] : memref<10000x128xf32, #tpu.memory_space<hbm>> -> memref<10000x128xf32, #tpu.memory_space<hbm>>
      tpu.enqueue_indirect_dma source(%dma_start3A_222 : memref<10000x128xf32, #tpu.memory_space<hbm>>) target(%dma_start3A_219 : memref<80x128xf32, #tpu.memory_space<vmem>>) offsets(%arg10 : memref<80xi32, #tpu.memory_space<vmem>>) semaphore(%arg26 : memref<!tpu.dma_semaphore, #tpu.memory_space<semaphore_mem>>)
      %dma_start3A_223 = arith.constant 0 : i32
      %dma_start3A_224 = tpu.memref_slice %arg19[%dma_start3A_223] : memref<10240xf32, #tpu.memory_space<vmem_shared>> -> memref<10240xf32, #tpu.memory_space<vmem_shared>>
      tpu.enqueue_indirect_dma source(%arg17 : memref<80xf32, #tpu.memory_space<vmem>>) target(%dma_start3A_224 : memref<10240xf32, #tpu.memory_space<vmem_shared>>) offsets(%arg14 : memref<80xi32, #tpu.memory_space<vmem>>) semaphore(%arg28 : memref<!tpu.dma_semaphore, #tpu.memory_space<semaphore_mem>>) {add = true}
      %dma_wait3A_225 = arith.constant 0 : i32
      %dma_wait3A_226 = arith.constant 0 : i32
      %dma_wait3A_227 = tpu.memref_slice %arg3[%dma_wait3A_225, %dma_wait3A_226] : memref<2x320000xi32, #tpu.memory_space<hbm>> -> memref<1x80xi32, #tpu.memory_space<hbm>>
      %dma_wait3A_228 = tpu.memref_squeeze %dma_wait3A_227 : memref<1x80xi32, #tpu.memory_space<hbm>> -> memref<80xi32, #tpu.memory_space<hbm>>
      %dma_wait3A_229 = arith.constant 0 : i32
      %dma_wait3A_230 = tpu.memref_slice %arg3[%dma_wait3A_225, %dma_wait3A_229] : memref<2x320000xi32, #tpu.memory_space<hbm>> -> memref<1x80xi32, #tpu.memory_space<hbm>>
      %dma_wait3A_231 = tpu.memref_squeeze %dma_wait3A_230 : memref<1x80xi32, #tpu.memory_space<hbm>> -> memref<80xi32, #tpu.memory_space<hbm>>
      tpu.wait_dma2 semaphore(%arg23 : memref<!tpu.dma_semaphore, #tpu.memory_space<semaphore_mem>>) src(%dma_wait3A_231 : memref<80xi32, #tpu.memory_space<hbm>>) dst(%arg11 : memref<80xi32, #tpu.memory_space<vmem>>)
      %dma_wait3A_232 = arith.constant 1 : i32
      %dma_wait3A_233 = arith.constant 0 : i32
      %dma_wait3A_234 = tpu.memref_slice %arg3[%dma_wait3A_232, %dma_wait3A_233] : memref<2x320000xi32, #tpu.memory_space<hbm>> -> memref<1x80xi32, #tpu.memory_space<hbm>>
      %dma_wait3A_235 = tpu.memref_squeeze %dma_wait3A_234 : memref<1x80xi32, #tpu.memory_space<hbm>> -> memref<80xi32, #tpu.memory_space<hbm>>
      %dma_wait3A_236 = arith.constant 0 : i32
      %dma_wait3A_237 = tpu.memref_slice %arg3[%dma_wait3A_232, %dma_wait3A_236] : memref<2x320000xi32, #tpu.memory_space<hbm>> -> memref<1x80xi32, #tpu.memory_space<hbm>>
      %dma_wait3A_238 = tpu.memref_squeeze %dma_wait3A_237 : memref<1x80xi32, #tpu.memory_space<hbm>> -> memref<80xi32, #tpu.memory_space<hbm>>
      tpu.wait_dma2 semaphore(%arg23 : memref<!tpu.dma_semaphore, #tpu.memory_space<semaphore_mem>>) src(%dma_wait3A_238 : memref<80xi32, #tpu.memory_space<hbm>>) dst(%arg15 : memref<80xi32, #tpu.memory_space<vmem>>)
      %dma_start3A_239 = arith.constant 3 : i32
      %dma_start3A_240 = arith.constant 0 : i32
      %dma_start3A_241 = arith.constant 0 : i32
      %dma_start3A_242 = tpu.memref_slice %arg16[%dma_start3A_239, %dma_start3A_240, %dma_start3A_241] : memref<4x80x128xf32, #tpu.memory_space<vmem>> -> memref<1x80x128xf32, #tpu.memory_space<vmem>>
      %dma_start3A_243 = tpu.memref_squeeze %dma_start3A_242 : memref<1x80x128xf32, #tpu.memory_space<vmem>> -> memref<80x128xf32, #tpu.memory_space<vmem>>
      %dma_start3A_244 = arith.constant 0 : i32
      %dma_start3A_245 = arith.constant 0 : i32
      %dma_start3A_246 = tpu.memref_slice %arg2[%dma_start3A_244, %dma_start3A_245] : memref<10000x128xf32, #tpu.memory_space<hbm>> -> memref<10000x128xf32, #tpu.memory_space<hbm>>
      tpu.enqueue_indirect_dma source(%dma_start3A_246 : memref<10000x128xf32, #tpu.memory_space<hbm>>) target(%dma_start3A_243 : memref<80x128xf32, #tpu.memory_space<vmem>>) offsets(%arg11 : memref<80xi32, #tpu.memory_space<vmem>>) semaphore(%arg27 : memref<!tpu.dma_semaphore, #tpu.memory_space<semaphore_mem>>)
      %dma_start3A_247 = arith.constant 0 : i32
      %dma_start3A_248 = tpu.memref_slice %arg19[%dma_start3A_247] : memref<10240xf32, #tpu.memory_space<vmem_shared>> -> memref<10240xf32, #tpu.memory_space<vmem_shared>>
      tpu.enqueue_indirect_dma source(%arg17 : memref<80xf32, #tpu.memory_space<vmem>>) target(%dma_start3A_248 : memref<10240xf32, #tpu.memory_space<vmem_shared>>) offsets(%arg15 : memref<80xi32, #tpu.memory_space<vmem>>) semaphore(%arg28 : memref<!tpu.dma_semaphore, #tpu.memory_space<semaphore_mem>>) {add = true}
      %dma_wait3A_249 = arith.constant 0 : i32
      %dma_wait3A_250 = arith.constant 0 : i32
      %dma_wait3A_251 = arith.constant 0 : i32
      %dma_wait3A_252 = tpu.memref_slice %arg16[%dma_wait3A_249, %dma_wait3A_250, %dma_wait3A_251] : memref<4x80x128xf32, #tpu.memory_space<vmem>> -> memref<1x80x128xf32, #tpu.memory_space<vmem>>
      %dma_wait3A_253 = tpu.memref_squeeze %dma_wait3A_252 : memref<1x80x128xf32, #tpu.memory_space<vmem>> -> memref<80x128xf32, #tpu.memory_space<vmem>>
      %dma_wait3A_254 = arith.constant 0 : i32
      %dma_wait3A_255 = arith.constant 0 : i32
      %dma_wait3A_256 = tpu.memref_slice %arg2[%dma_wait3A_254, %dma_wait3A_255] : memref<10000x128xf32, #tpu.memory_space<hbm>> -> memref<10000x128xf32, #tpu.memory_space<hbm>>
      tpu.wait_indirect_dma semaphore(%arg24 : memref<!tpu.dma_semaphore, #tpu.memory_space<semaphore_mem>>) src(%dma_wait3A_256 : memref<10000x128xf32, #tpu.memory_space<hbm>>) dst(%dma_wait3A_253 : memref<80x128xf32, #tpu.memory_space<vmem>>)
      %dma_start3A_257 = arith.constant 0 : i32
      %dma_start3A_258 = arith.constant 0 : i32
      %dma_start3A_259 = arith.constant 0 : i32
      %dma_start3A_260 = tpu.memref_slice %arg16[%dma_start3A_257, %dma_start3A_258, %dma_start3A_259] : memref<4x80x128xf32, #tpu.memory_space<vmem>> -> memref<1x80x128xf32, #tpu.memory_space<vmem>>
      %dma_start3A_261 = tpu.memref_squeeze %dma_start3A_260 : memref<1x80x128xf32, #tpu.memory_space<vmem>> -> memref<80x128xf32, #tpu.memory_space<vmem>>
      %dma_start3A_262 = arith.constant 0 : i32
      %dma_start3A_263 = arith.constant 0 : i32
      %dma_start3A_264 = tpu.memref_slice %arg18[%dma_start3A_262, %dma_start3A_263] : memref<10240x128xf32, #tpu.memory_space<vmem_shared>> -> memref<10240x128xf32, #tpu.memory_space<vmem_shared>>
      tpu.enqueue_indirect_dma source(%dma_start3A_261 : memref<80x128xf32, #tpu.memory_space<vmem>>) target(%dma_start3A_264 : memref<10240x128xf32, #tpu.memory_space<vmem_shared>>) offsets(%arg12 : memref<80xi32, #tpu.memory_space<vmem>>) semaphore(%arg28 : memref<!tpu.dma_semaphore, #tpu.memory_space<semaphore_mem>>) {add = true}
      %dma_wait3A_265 = arith.constant 1 : i32
      %dma_wait3A_266 = arith.constant 0 : i32
      %dma_wait3A_267 = arith.constant 0 : i32
      %dma_wait3A_268 = tpu.memref_slice %arg16[%dma_wait3A_265, %dma_wait3A_266, %dma_wait3A_267] : memref<4x80x128xf32, #tpu.memory_space<vmem>> -> memref<1x80x128xf32, #tpu.memory_space<vmem>>
      %dma_wait3A_269 = tpu.memref_squeeze %dma_wait3A_268 : memref<1x80x128xf32, #tpu.memory_space<vmem>> -> memref<80x128xf32, #tpu.memory_space<vmem>>
      %dma_wait3A_270 = arith.constant 0 : i32
      %dma_wait3A_271 = arith.constant 0 : i32
      %dma_wait3A_272 = tpu.memref_slice %arg2[%dma_wait3A_270, %dma_wait3A_271] : memref<10000x128xf32, #tpu.memory_space<hbm>> -> memref<10000x128xf32, #tpu.memory_space<hbm>>
      tpu.wait_indirect_dma semaphore(%arg25 : memref<!tpu.dma_semaphore, #tpu.memory_space<semaphore_mem>>) src(%dma_wait3A_272 : memref<10000x128xf32, #tpu.memory_space<hbm>>) dst(%dma_wait3A_269 : memref<80x128xf32, #tpu.memory_space<vmem>>)
      %dma_start3A_273 = arith.constant 1 : i32
      %dma_start3A_274 = arith.constant 0 : i32
      %dma_start3A_275 = arith.constant 0 : i32
      %dma_start3A_276 = tpu.memref_slice %arg16[%dma_start3A_273, %dma_start3A_274, %dma_start3A_275] : memref<4x80x128xf32, #tpu.memory_space<vmem>> -> memref<1x80x128xf32, #tpu.memory_space<vmem>>
      %dma_start3A_277 = tpu.memref_squeeze %dma_start3A_276 : memref<1x80x128xf32, #tpu.memory_space<vmem>> -> memref<80x128xf32, #tpu.memory_space<vmem>>
      %dma_start3A_278 = arith.constant 0 : i32
      %dma_start3A_279 = arith.constant 0 : i32
      %dma_start3A_280 = tpu.memref_slice %arg18[%dma_start3A_278, %dma_start3A_279] : memref<10240x128xf32, #tpu.memory_space<vmem_shared>> -> memref<10240x128xf32, #tpu.memory_space<vmem_shared>>
      tpu.enqueue_indirect_dma source(%dma_start3A_277 : memref<80x128xf32, #tpu.memory_space<vmem>>) target(%dma_start3A_280 : memref<10240x128xf32, #tpu.memory_space<vmem_shared>>) offsets(%arg13 : memref<80xi32, #tpu.memory_space<vmem>>) semaphore(%arg28 : memref<!tpu.dma_semaphore, #tpu.memory_space<semaphore_mem>>) {add = true}
      %dma_wait3A_281 = arith.constant 2 : i32
      %dma_wait3A_282 = arith.constant 0 : i32
      %dma_wait3A_283 = arith.constant 0 : i32
      %dma_wait3A_284 = tpu.memref_slice %arg16[%dma_wait3A_281, %dma_wait3A_282, %dma_wait3A_283] : memref<4x80x128xf32, #tpu.memory_space<vmem>> -> memref<1x80x128xf32, #tpu.memory_space<vmem>>
      %dma_wait3A_285 = tpu.memref_squeeze %dma_wait3A_284 : memref<1x80x128xf32, #tpu.memory_space<vmem>> -> memref<80x128xf32, #tpu.memory_space<vmem>>
      %dma_wait3A_286 = arith.constant 0 : i32
      %dma_wait3A_287 = arith.constant 0 : i32
      %dma_wait3A_288 = tpu.memref_slice %arg2[%dma_wait3A_286, %dma_wait3A_287] : memref<10000x128xf32, #tpu.memory_space<hbm>> -> memref<10000x128xf32, #tpu.memory_space<hbm>>
      tpu.wait_indirect_dma semaphore(%arg26 : memref<!tpu.dma_semaphore, #tpu.memory_space<semaphore_mem>>) src(%dma_wait3A_288 : memref<10000x128xf32, #tpu.memory_space<hbm>>) dst(%dma_wait3A_285 : memref<80x128xf32, #tpu.memory_space<vmem>>)
      %dma_start3A_289 = arith.constant 2 : i32
      %dma_start3A_290 = arith.constant 0 : i32
      %dma_start3A_291 = arith.constant 0 : i32
      %dma_start3A_292 = tpu.memref_slice %arg16[%dma_start3A_289, %dma_start3A_290, %dma_start3A_291] : memref<4x80x128xf32, #tpu.memory_space<vmem>> -> memref<1x80x128xf32, #tpu.memory_space<vmem>>
      %dma_start3A_293 = tpu.memref_squeeze %dma_start3A_292 : memref<1x80x128xf32, #tpu.memory_space<vmem>> -> memref<80x128xf32, #tpu.memory_space<vmem>>
      %dma_start3A_294 = arith.constant 0 : i32
      %dma_start3A_295 = arith.constant 0 : i32
      %dma_start3A_296 = tpu.memref_slice %arg18[%dma_start3A_294, %dma_start3A_295] : memref<10240x128xf32, #tpu.memory_space<vmem_shared>> -> memref<10240x128xf32, #tpu.memory_space<vmem_shared>>
      tpu.enqueue_indirect_dma source(%dma_start3A_293 : memref<80x128xf32, #tpu.memory_space<vmem>>) target(%dma_start3A_296 : memref<10240x128xf32, #tpu.memory_space<vmem_shared>>) offsets(%arg14 : memref<80xi32, #tpu.memory_space<vmem>>) semaphore(%arg28 : memref<!tpu.dma_semaphore, #tpu.memory_space<semaphore_mem>>) {add = true}
      %dma_wait3A_297 = arith.constant 3 : i32
      %dma_wait3A_298 = arith.constant 0 : i32
      %dma_wait3A_299 = arith.constant 0 : i32
      %dma_wait3A_300 = tpu.memref_slice %arg16[%dma_wait3A_297, %dma_wait3A_298, %dma_wait3A_299] : memref<4x80x128xf32, #tpu.memory_space<vmem>> -> memref<1x80x128xf32, #tpu.memory_space<vmem>>
      %dma_wait3A_301 = tpu.memref_squeeze %dma_wait3A_300 : memref<1x80x128xf32, #tpu.memory_space<vmem>> -> memref<80x128xf32, #tpu.memory_space<vmem>>
      %dma_wait3A_302 = arith.constant 0 : i32
      %dma_wait3A_303 = arith.constant 0 : i32
      %dma_wait3A_304 = tpu.memref_slice %arg2[%dma_wait3A_302, %dma_wait3A_303] : memref<10000x128xf32, #tpu.memory_space<hbm>> -> memref<10000x128xf32, #tpu.memory_space<hbm>>
      tpu.wait_indirect_dma semaphore(%arg27 : memref<!tpu.dma_semaphore, #tpu.memory_space<semaphore_mem>>) src(%dma_wait3A_304 : memref<10000x128xf32, #tpu.memory_space<hbm>>) dst(%dma_wait3A_301 : memref<80x128xf32, #tpu.memory_space<vmem>>)
      %dma_start3A_305 = arith.constant 3 : i32
      %dma_start3A_306 = arith.constant 0 : i32
      %dma_start3A_307 = arith.constant 0 : i32
      %dma_start3A_308 = tpu.memref_slice %arg16[%dma_start3A_305, %dma_start3A_306, %dma_start3A_307] : memref<4x80x128xf32, #tpu.memory_space<vmem>> -> memref<1x80x128xf32, #tpu.memory_space<vmem>>
      %dma_start3A_309 = tpu.memref_squeeze %dma_start3A_308 : memref<1x80x128xf32, #tpu.memory_space<vmem>> -> memref<80x128xf32, #tpu.memory_space<vmem>>
      %dma_start3A_310 = arith.constant 0 : i32
      %dma_start3A_311 = arith.constant 0 : i32
      %dma_start3A_312 = tpu.memref_slice %arg18[%dma_start3A_310, %dma_start3A_311] : memref<10240x128xf32, #tpu.memory_space<vmem_shared>> -> memref<10240x128xf32, #tpu.memory_space<vmem_shared>>
      tpu.enqueue_indirect_dma source(%dma_start3A_309 : memref<80x128xf32, #tpu.memory_space<vmem>>) target(%dma_start3A_312 : memref<10240x128xf32, #tpu.memory_space<vmem_shared>>) offsets(%arg15 : memref<80xi32, #tpu.memory_space<vmem>>) semaphore(%arg28 : memref<!tpu.dma_semaphore, #tpu.memory_space<semaphore_mem>>) {add = true}
      %dma_wait3A_313 = arith.constant 0 : i32
      %dma_wait3A_314 = tpu.memref_slice %arg19[%dma_wait3A_313] : memref<10240xf32, #tpu.memory_space<vmem_shared>> -> memref<10240xf32, #tpu.memory_space<vmem_shared>>
      tpu.wait_indirect_dma semaphore(%arg28 : memref<!tpu.dma_semaphore, #tpu.memory_space<semaphore_mem>>) src(%arg17 : memref<80xf32, #tpu.memory_space<vmem>>) dst(%dma_wait3A_314 : memref<10240xf32, #tpu.memory_space<vmem_shared>>)
      %dma_wait3A_315 = arith.constant 0 : i32
      %dma_wait3A_316 = tpu.memref_slice %arg19[%dma_wait3A_315] : memref<10240xf32, #tpu.memory_space<vmem_shared>> -> memref<10240xf32, #tpu.memory_space<vmem_shared>>
      tpu.wait_indirect_dma semaphore(%arg28 : memref<!tpu.dma_semaphore, #tpu.memory_space<semaphore_mem>>) src(%arg17 : memref<80xf32, #tpu.memory_space<vmem>>) dst(%dma_wait3A_316 : memref<10240xf32, #tpu.memory_space<vmem_shared>>)
      %dma_wait3A_317 = arith.constant 0 : i32
      %dma_wait3A_318 = tpu.memref_slice %arg19[%dma_wait3A_317] : memref<10240xf32, #tpu.memory_space<vmem_shared>> -> memref<10240xf32, #tpu.memory_space<vmem_shared>>
      tpu.wait_indirect_dma semaphore(%arg28 : memref<!tpu.dma_semaphore, #tpu.memory_space<semaphore_mem>>) src(%arg17 : memref<80xf32, #tpu.memory_space<vmem>>) dst(%dma_wait3A_318 : memref<10240xf32, #tpu.memory_space<vmem_shared>>)
      %dma_wait3A_319 = arith.constant 0 : i32
      %dma_wait3A_320 = tpu.memref_slice %arg19[%dma_wait3A_319] : memref<10240xf32, #tpu.memory_space<vmem_shared>> -> memref<10240xf32, #tpu.memory_space<vmem_shared>>
      tpu.wait_indirect_dma semaphore(%arg28 : memref<!tpu.dma_semaphore, #tpu.memory_space<semaphore_mem>>) src(%arg17 : memref<80xf32, #tpu.memory_space<vmem>>) dst(%dma_wait3A_320 : memref<10240xf32, #tpu.memory_space<vmem_shared>>)
      %dma_wait3A_321 = arith.constant 0 : i32
      %dma_wait3A_322 = arith.constant 0 : i32
      %dma_wait3A_323 = arith.constant 0 : i32
      %dma_wait3A_324 = tpu.memref_slice %arg16[%dma_wait3A_321, %dma_wait3A_322, %dma_wait3A_323] : memref<4x80x128xf32, #tpu.memory_space<vmem>> -> memref<1x80x128xf32, #tpu.memory_space<vmem>>
      %dma_wait3A_325 = tpu.memref_squeeze %dma_wait3A_324 : memref<1x80x128xf32, #tpu.memory_space<vmem>> -> memref<80x128xf32, #tpu.memory_space<vmem>>
      %dma_wait3A_326 = arith.constant 0 : i32
      %dma_wait3A_327 = arith.constant 0 : i32
      %dma_wait3A_328 = tpu.memref_slice %arg18[%dma_wait3A_326, %dma_wait3A_327] : memref<10240x128xf32, #tpu.memory_space<vmem_shared>> -> memref<10240x128xf32, #tpu.memory_space<vmem_shared>>
      tpu.wait_indirect_dma semaphore(%arg28 : memref<!tpu.dma_semaphore, #tpu.memory_space<semaphore_mem>>) src(%dma_wait3A_325 : memref<80x128xf32, #tpu.memory_space<vmem>>) dst(%dma_wait3A_328 : memref<10240x128xf32, #tpu.memory_space<vmem_shared>>)
      %dma_wait3A_329 = arith.constant 1 : i32
      %dma_wait3A_330 = arith.constant 0 : i32
      %dma_wait3A_331 = arith.constant 0 : i32
      %dma_wait3A_332 = tpu.memref_slice %arg16[%dma_wait3A_329, %dma_wait3A_330, %dma_wait3A_331] : memref<4x80x128xf32, #tpu.memory_space<vmem>> -> memref<1x80x128xf32, #tpu.memory_space<vmem>>
      %dma_wait3A_333 = tpu.memref_squeeze %dma_wait3A_332 : memref<1x80x128xf32, #tpu.memory_space<vmem>> -> memref<80x128xf32, #tpu.memory_space<vmem>>
      %dma_wait3A_334 = arith.constant 0 : i32
      %dma_wait3A_335 = arith.constant 0 : i32
      %dma_wait3A_336 = tpu.memref_slice %arg18[%dma_wait3A_334, %dma_wait3A_335] : memref<10240x128xf32, #tpu.memory_space<vmem_shared>> -> memref<10240x128xf32, #tpu.memory_space<vmem_shared>>
      tpu.wait_indirect_dma semaphore(%arg28 : memref<!tpu.dma_semaphore, #tpu.memory_space<semaphore_mem>>) src(%dma_wait3A_333 : memref<80x128xf32, #tpu.memory_space<vmem>>) dst(%dma_wait3A_336 : memref<10240x128xf32, #tpu.memory_space<vmem_shared>>)
      %dma_wait3A_337 = arith.constant 2 : i32
      %dma_wait3A_338 = arith.constant 0 : i32
      %dma_wait3A_339 = arith.constant 0 : i32
      %dma_wait3A_340 = tpu.memref_slice %arg16[%dma_wait3A_337, %dma_wait3A_338, %dma_wait3A_339] : memref<4x80x128xf32, #tpu.memory_space<vmem>> -> memref<1x80x128xf32, #tpu.memory_space<vmem>>
      %dma_wait3A_341 = tpu.memref_squeeze %dma_wait3A_340 : memref<1x80x128xf32, #tpu.memory_space<vmem>> -> memref<80x128xf32, #tpu.memory_space<vmem>>
      %dma_wait3A_342 = arith.constant 0 : i32
      %dma_wait3A_343 = arith.constant 0 : i32
      %dma_wait3A_344 = tpu.memref_slice %arg18[%dma_wait3A_342, %dma_wait3A_343] : memref<10240x128xf32, #tpu.memory_space<vmem_shared>> -> memref<10240x128xf32, #tpu.memory_space<vmem_shared>>
      tpu.wait_indirect_dma semaphore(%arg28 : memref<!tpu.dma_semaphore, #tpu.memory_space<semaphore_mem>>) src(%dma_wait3A_341 : memref<80x128xf32, #tpu.memory_space<vmem>>) dst(%dma_wait3A_344 : memref<10240x128xf32, #tpu.memory_space<vmem_shared>>)
      %dma_wait3A_345 = arith.constant 3 : i32
      %dma_wait3A_346 = arith.constant 0 : i32
      %dma_wait3A_347 = arith.constant 0 : i32
      %dma_wait3A_348 = tpu.memref_slice %arg16[%dma_wait3A_345, %dma_wait3A_346, %dma_wait3A_347] : memref<4x80x128xf32, #tpu.memory_space<vmem>> -> memref<1x80x128xf32, #tpu.memory_space<vmem>>
      %dma_wait3A_349 = tpu.memref_squeeze %dma_wait3A_348 : memref<1x80x128xf32, #tpu.memory_space<vmem>> -> memref<80x128xf32, #tpu.memory_space<vmem>>
      %dma_wait3A_350 = arith.constant 0 : i32
      %dma_wait3A_351 = arith.constant 0 : i32
      %dma_wait3A_352 = tpu.memref_slice %arg18[%dma_wait3A_350, %dma_wait3A_351] : memref<10240x128xf32, #tpu.memory_space<vmem_shared>> -> memref<10240x128xf32, #tpu.memory_space<vmem_shared>>
      tpu.wait_indirect_dma semaphore(%arg28 : memref<!tpu.dma_semaphore, #tpu.memory_space<semaphore_mem>>) src(%dma_wait3A_349 : memref<80x128xf32, #tpu.memory_space<vmem>>) dst(%dma_wait3A_352 : memref<10240x128xf32, #tpu.memory_space<vmem_shared>>)
    }
    %scan3A_21 = arith.constant 31 : i32
    %add3A_22 = arith.constant 9920 : i32
    %add3A_23 = arith.addi %mul3A_16, %add3A_22 : i32
    %dma_start3A = arith.constant 0 : i32
    %dma_start3A_24 = tpu.memref_slice %arg3[%dma_start3A, %add3A_23] : memref<2x320000xi32, #tpu.memory_space<hbm>> -> memref<1x80xi32, #tpu.memory_space<hbm>>
    %dma_start3A_25 = tpu.memref_squeeze %dma_start3A_24 : memref<1x80xi32, #tpu.memory_space<hbm>> -> memref<80xi32, #tpu.memory_space<hbm>>
    %dma_start3A_26 = tpu.memref_slice %arg3[%dma_start3A, %add3A_23] : memref<2x320000xi32, #tpu.memory_space<hbm>> -> memref<1x80xi32, #tpu.memory_space<hbm>>
    %dma_start3A_27 = tpu.memref_squeeze %dma_start3A_26 : memref<1x80xi32, #tpu.memory_space<hbm>> -> memref<80xi32, #tpu.memory_space<hbm>>
    tpu.enqueue_dma source(%dma_start3A_27 : memref<80xi32, #tpu.memory_space<hbm>>) target(%arg8 : memref<80xi32, #tpu.memory_space<vmem>>) target_semaphore(%arg20 : memref<!tpu.dma_semaphore, #tpu.memory_space<semaphore_mem>>)
    %dma_start3A_28 = arith.constant 1 : i32
    %dma_start3A_29 = tpu.memref_slice %arg3[%dma_start3A_28, %add3A_23] : memref<2x320000xi32, #tpu.memory_space<hbm>> -> memref<1x80xi32, #tpu.memory_space<hbm>>
    %dma_start3A_30 = tpu.memref_squeeze %dma_start3A_29 : memref<1x80xi32, #tpu.memory_space<hbm>> -> memref<80xi32, #tpu.memory_space<hbm>>
    %dma_start3A_31 = tpu.memref_slice %arg3[%dma_start3A_28, %add3A_23] : memref<2x320000xi32, #tpu.memory_space<hbm>> -> memref<1x80xi32, #tpu.memory_space<hbm>>
    %dma_start3A_32 = tpu.memref_squeeze %dma_start3A_31 : memref<1x80xi32, #tpu.memory_space<hbm>> -> memref<80xi32, #tpu.memory_space<hbm>>
    tpu.enqueue_dma source(%dma_start3A_32 : memref<80xi32, #tpu.memory_space<hbm>>) target(%arg12 : memref<80xi32, #tpu.memory_space<vmem>>) target_semaphore(%arg20 : memref<!tpu.dma_semaphore, #tpu.memory_space<semaphore_mem>>)
    %dma_wait3A = arith.constant 0 : i32
    %dma_wait3A_33 = arith.constant 0 : i32
    %dma_wait3A_34 = tpu.memref_slice %arg3[%dma_wait3A, %dma_wait3A_33] : memref<2x320000xi32, #tpu.memory_space<hbm>> -> memref<1x80xi32, #tpu.memory_space<hbm>>
    %dma_wait3A_35 = tpu.memref_squeeze %dma_wait3A_34 : memref<1x80xi32, #tpu.memory_space<hbm>> -> memref<80xi32, #tpu.memory_space<hbm>>
    %dma_wait3A_36 = arith.constant 0 : i32
    %dma_wait3A_37 = tpu.memref_slice %arg3[%dma_wait3A, %dma_wait3A_36] : memref<2x320000xi32, #tpu.memory_space<hbm>> -> memref<1x80xi32, #tpu.memory_space<hbm>>
    %dma_wait3A_38 = tpu.memref_squeeze %dma_wait3A_37 : memref<1x80xi32, #tpu.memory_space<hbm>> -> memref<80xi32, #tpu.memory_space<hbm>>
    tpu.wait_dma2 semaphore(%arg20 : memref<!tpu.dma_semaphore, #tpu.memory_space<semaphore_mem>>) src(%dma_wait3A_38 : memref<80xi32, #tpu.memory_space<hbm>>) dst(%arg8 : memref<80xi32, #tpu.memory_space<vmem>>)
    %dma_wait3A_39 = arith.constant 1 : i32
    %dma_wait3A_40 = arith.constant 0 : i32
    %dma_wait3A_41 = tpu.memref_slice %arg3[%dma_wait3A_39, %dma_wait3A_40] : memref<2x320000xi32, #tpu.memory_space<hbm>> -> memref<1x80xi32, #tpu.memory_space<hbm>>
    %dma_wait3A_42 = tpu.memref_squeeze %dma_wait3A_41 : memref<1x80xi32, #tpu.memory_space<hbm>> -> memref<80xi32, #tpu.memory_space<hbm>>
    %dma_wait3A_43 = arith.constant 0 : i32
    %dma_wait3A_44 = tpu.memref_slice %arg3[%dma_wait3A_39, %dma_wait3A_43] : memref<2x320000xi32, #tpu.memory_space<hbm>> -> memref<1x80xi32, #tpu.memory_space<hbm>>
    %dma_wait3A_45 = tpu.memref_squeeze %dma_wait3A_44 : memref<1x80xi32, #tpu.memory_space<hbm>> -> memref<80xi32, #tpu.memory_space<hbm>>
    tpu.wait_dma2 semaphore(%arg20 : memref<!tpu.dma_semaphore, #tpu.memory_space<semaphore_mem>>) src(%dma_wait3A_45 : memref<80xi32, #tpu.memory_space<hbm>>) dst(%arg12 : memref<80xi32, #tpu.memory_space<vmem>>)
    %dma_start3A_46 = arith.constant 0 : i32
    %dma_start3A_47 = arith.constant 0 : i32
    %dma_start3A_48 = arith.constant 0 : i32
    %dma_start3A_49 = tpu.memref_slice %arg16[%dma_start3A_46, %dma_start3A_47, %dma_start3A_48] : memref<4x80x128xf32, #tpu.memory_space<vmem>> -> memref<1x80x128xf32, #tpu.memory_space<vmem>>
    %dma_start3A_50 = tpu.memref_squeeze %dma_start3A_49 : memref<1x80x128xf32, #tpu.memory_space<vmem>> -> memref<80x128xf32, #tpu.memory_space<vmem>>
    %dma_start3A_51 = arith.constant 0 : i32
    %dma_start3A_52 = arith.constant 0 : i32
    %dma_start3A_53 = tpu.memref_slice %arg2[%dma_start3A_51, %dma_start3A_52] : memref<10000x128xf32, #tpu.memory_space<hbm>> -> memref<10000x128xf32, #tpu.memory_space<hbm>>
    tpu.enqueue_indirect_dma source(%dma_start3A_53 : memref<10000x128xf32, #tpu.memory_space<hbm>>) target(%dma_start3A_50 : memref<80x128xf32, #tpu.memory_space<vmem>>) offsets(%arg8 : memref<80xi32, #tpu.memory_space<vmem>>) semaphore(%arg24 : memref<!tpu.dma_semaphore, #tpu.memory_space<semaphore_mem>>)
    %dma_start3A_54 = arith.constant 0 : i32
    %dma_start3A_55 = tpu.memref_slice %arg19[%dma_start3A_54] : memref<10240xf32, #tpu.memory_space<vmem_shared>> -> memref<10240xf32, #tpu.memory_space<vmem_shared>>
    tpu.enqueue_indirect_dma source(%arg17 : memref<80xf32, #tpu.memory_space<vmem>>) target(%dma_start3A_55 : memref<10240xf32, #tpu.memory_space<vmem_shared>>) offsets(%arg12 : memref<80xi32, #tpu.memory_space<vmem>>) semaphore(%arg28 : memref<!tpu.dma_semaphore, #tpu.memory_space<semaphore_mem>>) {add = true}
    %dma_wait3A_56 = arith.constant 0 : i32
    %dma_wait3A_57 = arith.constant 0 : i32
    %dma_wait3A_58 = arith.constant 0 : i32
    %dma_wait3A_59 = tpu.memref_slice %arg16[%dma_wait3A_56, %dma_wait3A_57, %dma_wait3A_58] : memref<4x80x128xf32, #tpu.memory_space<vmem>> -> memref<1x80x128xf32, #tpu.memory_space<vmem>>
    %dma_wait3A_60 = tpu.memref_squeeze %dma_wait3A_59 : memref<1x80x128xf32, #tpu.memory_space<vmem>> -> memref<80x128xf32, #tpu.memory_space<vmem>>
    %dma_wait3A_61 = arith.constant 0 : i32
    %dma_wait3A_62 = arith.constant 0 : i32
    %dma_wait3A_63 = tpu.memref_slice %arg2[%dma_wait3A_61, %dma_wait3A_62] : memref<10000x128xf32, #tpu.memory_space<hbm>> -> memref<10000x128xf32, #tpu.memory_space<hbm>>
    tpu.wait_indirect_dma semaphore(%arg24 : memref<!tpu.dma_semaphore, #tpu.memory_space<semaphore_mem>>) src(%dma_wait3A_63 : memref<10000x128xf32, #tpu.memory_space<hbm>>) dst(%dma_wait3A_60 : memref<80x128xf32, #tpu.memory_space<vmem>>)
    %dma_start3A_64 = arith.constant 0 : i32
    %dma_start3A_65 = arith.constant 0 : i32
    %dma_start3A_66 = arith.constant 0 : i32
    %dma_start3A_67 = tpu.memref_slice %arg16[%dma_start3A_64, %dma_start3A_65, %dma_start3A_66] : memref<4x80x128xf32, #tpu.memory_space<vmem>> -> memref<1x80x128xf32, #tpu.memory_space<vmem>>
    %dma_start3A_68 = tpu.memref_squeeze %dma_start3A_67 : memref<1x80x128xf32, #tpu.memory_space<vmem>> -> memref<80x128xf32, #tpu.memory_space<vmem>>
    %dma_start3A_69 = arith.constant 0 : i32
    %dma_start3A_70 = arith.constant 0 : i32
    %dma_start3A_71 = tpu.memref_slice %arg18[%dma_start3A_69, %dma_start3A_70] : memref<10240x128xf32, #tpu.memory_space<vmem_shared>> -> memref<10240x128xf32, #tpu.memory_space<vmem_shared>>
    tpu.enqueue_indirect_dma source(%dma_start3A_68 : memref<80x128xf32, #tpu.memory_space<vmem>>) target(%dma_start3A_71 : memref<10240x128xf32, #tpu.memory_space<vmem_shared>>) offsets(%arg12 : memref<80xi32, #tpu.memory_space<vmem>>) semaphore(%arg28 : memref<!tpu.dma_semaphore, #tpu.memory_space<semaphore_mem>>) {add = true}
    %dma_wait3A_72 = arith.constant 0 : i32
    %dma_wait3A_73 = tpu.memref_slice %arg19[%dma_wait3A_72] : memref<10240xf32, #tpu.memory_space<vmem_shared>> -> memref<10240xf32, #tpu.memory_space<vmem_shared>>
    tpu.wait_indirect_dma semaphore(%arg28 : memref<!tpu.dma_semaphore, #tpu.memory_space<semaphore_mem>>) src(%arg17 : memref<80xf32, #tpu.memory_space<vmem>>) dst(%dma_wait3A_73 : memref<10240xf32, #tpu.memory_space<vmem_shared>>)
    %dma_wait3A_74 = arith.constant 0 : i32
    %dma_wait3A_75 = arith.constant 0 : i32
    %dma_wait3A_76 = arith.constant 0 : i32
    %dma_wait3A_77 = tpu.memref_slice %arg16[%dma_wait3A_74, %dma_wait3A_75, %dma_wait3A_76] : memref<4x80x128xf32, #tpu.memory_space<vmem>> -> memref<1x80x128xf32, #tpu.memory_space<vmem>>
    %dma_wait3A_78 = tpu.memref_squeeze %dma_wait3A_77 : memref<1x80x128xf32, #tpu.memory_space<vmem>> -> memref<80x128xf32, #tpu.memory_space<vmem>>
    %dma_wait3A_79 = arith.constant 0 : i32
    %dma_wait3A_80 = arith.constant 0 : i32
    %dma_wait3A_81 = tpu.memref_slice %arg18[%dma_wait3A_79, %dma_wait3A_80] : memref<10240x128xf32, #tpu.memory_space<vmem_shared>> -> memref<10240x128xf32, #tpu.memory_space<vmem_shared>>
    tpu.wait_indirect_dma semaphore(%arg28 : memref<!tpu.dma_semaphore, #tpu.memory_space<semaphore_mem>>) src(%dma_wait3A_78 : memref<80x128xf32, #tpu.memory_space<vmem>>) dst(%dma_wait3A_81 : memref<10240x128xf32, #tpu.memory_space<vmem_shared>>)
    %barrier3A_82 = arith.constant 0 : index
    tpu.barrier barrier_id(%barrier3A_82)
    %mul3A_83 = arith.constant 640 : i32
    %mul3A_84 = arith.muli %arg1, %mul3A_83 : i32
    "tpu.region"() ({
      %run_scoped3A = tpu.sem_alloc : memref<!tpu.dma_semaphore, #tpu.memory_space<semaphore_mem>>
      %dma_start3A_90 = arith.constant 0 : i32
      %dma_start3A_91 = tpu.memref_slice %arg6[%arg0, %mul3A_84, %dma_start3A_90] : memref<2x10240x128xf32, #tpu.memory_space<hbm>> -> memref<1x640x128xf32, #tpu.memory_space<hbm>>
      %dma_start3A_92 = tpu.memref_squeeze %dma_start3A_91 : memref<1x640x128xf32, #tpu.memory_space<hbm>> -> memref<640x128xf32, #tpu.memory_space<hbm>>
      %dma_start3A_93 = arith.constant 0 : i32
      %dma_start3A_94 = tpu.memref_slice %arg18[%mul3A_84, %dma_start3A_93] : memref<10240x128xf32, #tpu.memory_space<vmem_shared>> -> memref<640x128xf32, #tpu.memory_space<vmem_shared>>
      tpu.enqueue_dma source(%dma_start3A_94 : memref<640x128xf32, #tpu.memory_space<vmem_shared>>) target(%dma_start3A_92 : memref<640x128xf32, #tpu.memory_space<hbm>>) target_semaphore(%run_scoped3A : memref<!tpu.dma_semaphore, #tpu.memory_space<semaphore_mem>>)
      %dma_wait3A_95 = arith.constant 0 : i32
      %dma_wait3A_96 = tpu.memref_slice %arg6[%arg0, %mul3A_84, %dma_wait3A_95] : memref<2x10240x128xf32, #tpu.memory_space<hbm>> -> memref<1x640x128xf32, #tpu.memory_space<hbm>>
      %dma_wait3A_97 = tpu.memref_squeeze %dma_wait3A_96 : memref<1x640x128xf32, #tpu.memory_space<hbm>> -> memref<640x128xf32, #tpu.memory_space<hbm>>
      %dma_wait3A_98 = arith.constant 0 : i32
      %dma_wait3A_99 = tpu.memref_slice %arg18[%mul3A_84, %dma_wait3A_98] : memref<10240x128xf32, #tpu.memory_space<vmem_shared>> -> memref<640x128xf32, #tpu.memory_space<vmem_shared>>
      tpu.wait_dma2 semaphore(%run_scoped3A : memref<!tpu.dma_semaphore, #tpu.memory_space<semaphore_mem>>) src(%dma_wait3A_99 : memref<640x128xf32, #tpu.memory_space<vmem_shared>>) dst(%dma_wait3A_97 : memref<640x128xf32, #tpu.memory_space<hbm>>)
      tpu.yield
    }) : () -> ()
    %eq3A_85 = arith.constant 0 : i32
    %eq3A_86 = arith.cmpi eq, %arg1, %eq3A_85 : i32
    %convert_element_type3A_87 = arith.extui %eq3A_86 : i1 to i32
    %cond3A_88 = arith.constant 0 : i32
    %cond3A_89 = arith.cmpi ne, %convert_element_type3A_87, %cond3A_88 : i32
    scf.if %cond3A_89 {
      "tpu.region"() ({
        %run_scoped3A = tpu.sem_alloc : memref<!tpu.dma_semaphore, #tpu.memory_space<semaphore_mem>>
        %dma_start3A_90 = arith.constant 0 : i32
        %dma_start3A_91 = tpu.memref_slice %arg7[%arg0, %dma_start3A_90] : memref<2x10240xf32, #tpu.memory_space<hbm>> -> memref<1x10240xf32, #tpu.memory_space<hbm>>
        %dma_start3A_92 = tpu.memref_squeeze %dma_start3A_91 : memref<1x10240xf32, #tpu.memory_space<hbm>> -> memref<10240xf32, #tpu.memory_space<hbm>>
        tpu.enqueue_dma source(%arg19 : memref<10240xf32, #tpu.memory_space<vmem_shared>>) target(%dma_start3A_92 : memref<10240xf32, #tpu.memory_space<hbm>>) target_semaphore(%run_scoped3A : memref<!tpu.dma_semaphore, #tpu.memory_space<semaphore_mem>>)
        %dma_wait3A_93 = arith.constant 0 : i32
        %dma_wait3A_94 = tpu.memref_slice %arg7[%arg0, %dma_wait3A_93] : memref<2x10240xf32, #tpu.memory_space<hbm>> -> memref<1x10240xf32, #tpu.memory_space<hbm>>
        %dma_wait3A_95 = tpu.memref_squeeze %dma_wait3A_94 : memref<1x10240xf32, #tpu.memory_space<hbm>> -> memref<10240xf32, #tpu.memory_space<hbm>>
        tpu.wait_dma2 semaphore(%run_scoped3A : memref<!tpu.dma_semaphore, #tpu.memory_space<semaphore_mem>>) src(%arg19 : memref<10240xf32, #tpu.memory_space<vmem_shared>>) dst(%dma_wait3A_95 : memref<10240xf32, #tpu.memory_space<hbm>>)
        tpu.yield
      }) : () -> ()
    } else {
    }
    return
  }
}

module attributes {stable_mosaic.version = 14 : i64} {
  func.func @_tc_finish(%arg0: i32, %arg1: memref<2x2048x128xf32, #tpu.memory_space<vmem>>, %arg2: memref<2x10240xf32, #tpu.memory_space<vmem>>, %arg3: memref<128x128xf32, #tpu.memory_space<vmem>>, %arg4: memref<1x128xf32, #tpu.memory_space<vmem>>, %arg5: memref<2048x128xf32, #tpu.memory_space<vmem>>) attributes {dimension_semantics = [#tpu.dimension_semantics<arbitrary>], iteration_bounds = array<i64: 5>, scalar_prefetch = 0 : i64, scratch_operands = 0 : i64, tpu.core_type = #tpu.core_type<tc>, window_params = [{transform_indices = @transform_0, window_bounds = array<i64: 2, 2048, 128>}, {pipeline_mode = #tpu.pipeline_mode<synchronous>, transform_indices = @transform_1, window_bounds = array<i64: 2, 10240>}, {pipeline_mode = #tpu.pipeline_mode<synchronous>, transform_indices = @transform_2, window_bounds = array<i64: 128, 128>}, {pipeline_mode = #tpu.pipeline_mode<synchronous>, transform_indices = @transform_3, window_bounds = array<i64: 1, 128>}, {transform_indices = @transform_4, window_bounds = array<i64: 2048, 128>}]} {
    %mul3A = arith.constant 2048 : i32
    %mul3A_0 = arith.muli %arg0, %mul3A : i32
    %multiple_of3A = tpu.assume_multiple %mul3A_0, 128 : i32
    %get3A = arith.constant 0 : index
    %get3A_1 = arith.constant 0 : index
    %get3A_2 = arith.constant 0 : index
    %get3A_3 = vector.load %arg1[%get3A, %get3A_1, %get3A_2] : memref<2x2048x128xf32, #tpu.memory_space<vmem>>, vector<1x2048x128xf32>
    %get3A_4 = vector.shape_cast %get3A_3 : vector<1x2048x128xf32> to vector<2048x128xf32>
    %get3A_5 = arith.constant 1 : index
    %get3A_6 = arith.constant 0 : index
    %get3A_7 = arith.constant 0 : index
    %get3A_8 = vector.load %arg1[%get3A_5, %get3A_6, %get3A_7] : memref<2x2048x128xf32, #tpu.memory_space<vmem>>, vector<1x2048x128xf32>
    %get3A_9 = vector.shape_cast %get3A_8 : vector<1x2048x128xf32> to vector<2048x128xf32>
    %add3A = arith.addf %get3A_4, %get3A_9 : vector<2048x128xf32>
    %get3A_10 = arith.constant 0 : index
    %get3A_11 = arith.index_cast %multiple_of3A : i32 to index
    %get3A_12 = vector.load %arg2[%get3A_10, %get3A_11] : memref<2x10240xf32, #tpu.memory_space<vmem>>, vector<1x2048xf32>
    %get3A_13 = vector.shape_cast %get3A_12 : vector<1x2048xf32> to vector<2048xf32>
    %get3A_14 = arith.constant 1 : index
    %get3A_15 = arith.index_cast %multiple_of3A : i32 to index
    %get3A_16 = vector.load %arg2[%get3A_14, %get3A_15] : memref<2x10240xf32, #tpu.memory_space<vmem>>, vector<1x2048xf32>
    %get3A_17 = vector.shape_cast %get3A_16 : vector<1x2048xf32> to vector<2048xf32>
    %add3A_18 = arith.addf %get3A_13, %get3A_17 : vector<2048xf32>
    %max3A = arith.constant 1.000000e+00 : f32
    %max3A_19 = vector.broadcast %max3A : f32 to vector<2048xf32>
    %max3A_20 = arith.maximumf %add3A_18, %max3A_19 : vector<2048xf32>
    %broadcast_in_dim3A = vector.shape_cast %max3A_20 : vector<2048xf32> to vector<2048x1xf32>
    %div3A = vector.broadcast %broadcast_in_dim3A : vector<2048x1xf32> to vector<2048x128xf32>
    %div3A_21 = arith.divf %add3A, %div3A : vector<2048x128xf32>
    %get3A_22 = arith.constant 0 : index
    %get3A_23 = arith.constant 0 : index
    %get3A_24 = vector.load %arg3[%get3A_22, %get3A_23] : memref<128x128xf32, #tpu.memory_space<vmem>>, vector<128x128xf32>
    %dot_general3A = arith.constant dense<0.000000e+00> : vector<2048x128xf32>
    %dot_general3A_25 = tpu.matmul %div3A_21, %get3A_24, %dot_general3A {dimension_numbers = #tpu.dot_dimension_numbers<[1], [0], [0], [1], [0, 0, 1, 1], [], []>, transpose_lhs_hint = false} : vector<2048x128xf32>, vector<128x128xf32>, vector<2048x128xf32> -> vector<2048x128xf32>
    %get3A_26 = arith.constant 0 : index
    %get3A_27 = arith.constant 0 : index
    %get3A_28 = vector.load %arg4[%get3A_26, %get3A_27] : memref<1x128xf32, #tpu.memory_space<vmem>>, vector<1x128xf32>
    %add3A_29 = vector.broadcast %get3A_28 : vector<1x128xf32> to vector<2048x128xf32>
    %add3A_30 = arith.addf %dot_general3A_25, %add3A_29 : vector<2048x128xf32>
    %max3A_31 = arith.constant 0.000000e+00 : f32
    %max3A_32 = vector.broadcast %max3A_31 : f32 to vector<2048x128xf32>
    %max3A_33 = arith.maximumf %add3A_30, %max3A_32 : vector<2048x128xf32>
    %swap3A = arith.constant 0 : index
    %swap3A_34 = arith.constant 0 : index
    %swap3A_35 = vector.load %arg5[%swap3A, %swap3A_34] : memref<2048x128xf32, #tpu.memory_space<vmem>>, vector<2048x128xf32>
    tpu.vector_store %arg5[%swap3A, %swap3A_34], %max3A_33 {strides = array<i32>} : memref<2048x128xf32, #tpu.memory_space<vmem>>, vector<2048x128xf32>,
    return
  }
  func.func @transform_0(%arg0: i32) -> (i32, i32, i32) {
    %c0_i32 = arith.constant 0 : i32
    %c0_i32_0 = arith.constant 0 : i32
    %c0_i32_1 = arith.constant 0 : i32
    return %c0_i32, %arg0, %c0_i32_0 : i32, i32, i32
  }
  func.func @transform_1(%arg0: i32) -> (i32, i32) {
    %c0_i32 = arith.constant 0 : i32
    %c0_i32_0 = arith.constant 0 : i32
    %c0_i32_1 = arith.constant 0 : i32
    return %c0_i32, %c0_i32_0 : i32, i32
  }
  func.func @transform_2(%arg0: i32) -> (i32, i32) {
    %c0_i32 = arith.constant 0 : i32
    %c0_i32_0 = arith.constant 0 : i32
    %c0_i32_1 = arith.constant 0 : i32
    return %c0_i32, %c0_i32_0 : i32, i32
  }
  func.func @transform_3(%arg0: i32) -> (i32, i32) {
    %c0_i32 = arith.constant 0 : i32
    %c0_i32_0 = arith.constant 0 : i32
    %c0_i32_1 = arith.constant 0 : i32
    return %c0_i32, %c0_i32_0 : i32, i32
  }
  func.func @transform_4(%arg0: i32) -> (i32, i32) {
    %c0_i32 = arith.constant 0 : i32
    %c0_i32_0 = arith.constant 0 : i32
    return %arg0, %c0_i32 : i32, i32
  }
}

</mosaic_0001>

<sc_bundles>
// kernel: kernel.4.cloned.1.call-start
scs
__scs_entry_jumppad:
0x0: {  	(pc) =	sbr.rel $0x88, $3  }
0x1: {  	(tag) =	ssettag $0x0;
	lr =	simm.s32 $0x1  }
0x2: {  	[smem:$0x3F9D] =	sst lr;
	_ =	strace $0xD0000000  }
0x3: {  	_ = 	snop  }
0x4: {  	_ = 	snop  }
0x5: {  	_ = 	snop  }
0x6: {  	_ = 	snop  }
0x7: {  	_ = 	snop  }
__scs_overlays_trampoline_lowered:
0x8: {  	[smem:$0x3FAC] =	sst s0  }
0x9: {  	[smem:$0x3FAD] =	sst s1  }
0xa: {  	[smem:$0x3FAE] =	sst s2  }
0xb: {  	[smem:$0x3FAF] =	sst s3  }
0xc: {  	[smem:$0x3FB0] =	sst s4  }
0xd: {  	[smem:$0x3FB1] =	sst s5  }
0xe: {  	[smem:$0x3FB2] =	sst s6  }
0xf: {  	[smem:$0x3FB3] =	sst s7  }
0x10: {  	[smem:$0x3FB4] =	sst s8  }
0x11: {  	[smem:$0x3FB5] =	sst s9;
	s0 =	simm.s32 @!p0 $0x0  }
0x12: {  	s1 =	sld [smem:$0x3F9B];
	s0 =	simm.s32 @p0 $0x1  }
0x13: {  	[smem:$0x3FB6] =	sst s0;
	s0 =	simm.s32 @!p1 $0x0  }
0x14: {  	s2 =	sld [smem:$0x3F9A];
	s0 =	simm.s32 @p1 $0x1  }
0x15: {  	[smem:$0x3FB7] =	sst s0;
	s0 =	simm.s32 @!p2 $0x0  }
0x16: {  	s3 =	sld [smem:$0x3FDB];
	s0 =	simm.s32 @p2 $0x1  }
0x17: {  	s4 =	simm.s32 $0x1BF5;
	[smem:$0x3FB9] =	sst s0  }
0x18: {  	s0 =	sld [smem:$0x3F9C];
	_ =	swait.ge [sflag:s4], $0x0  }
0x19: {  	s7 =	sld [smem:$0x3F9D]  }
0x1a: {  	s8 =	sadd.s32 $0xFFFFE003, lr  }
0x1b: {  	s9 =	sadd.s32 $0xFFFFFEF7, lr;
	s5 =	simm.s32 $0xFFFFFFFF;
	p2 =	slt.u32 s8, $0xFFFFF086  }
0x1c: {  	p1 =	slt.u32 s9, $0xF7A;
	s5 =	simm.s32 @!p2 $0x0  }
0x1d: {  	s5 =	simm.s32 @p1 $0x1;
	p0 =	seq.s32 s7, s2  }
0x1e: {  	s7 =	smul.u32 @!p0 $0xF7A, s2;
	p2 =	seq.s32 @!p0 s5, $0x0  }
0x1f: {  	s9 =	smul.u32 $0xF7A, s1;
	s8 =	simm.s32 @!p0 $0x1BF5;
	p2 =	por !p2, p0  }
0x20: {  	[sflag:s8] =	ssyncset.s32 @!p0 $0xFFFFF086;
	s6 =	sadd.s32 @!p0 s3, s7;
	s7 =	simm.s32 @!p0 $0x108  }
0x21: {  	s3 =	sadd.s32 s3, s9;
	s6 =	sadd.s32 @!p0 $0x88, s6;
	s7 =	simm.s32 @p2 $0x1082  }
0x22: {  	[simem:s7], [sflag:s8] =	dma.local @!p0 [hbm:s6], $0xF7A  }
0x23: {  	s9 =	sor.u32 $0xD0000000, s2;
	s6 =	simm.s32 $0x108;
	_ =	swait.ge @!p0 [sflag:s8], $0x0  }
0x24: {  	s3 =	sadd.s32 $0x88, s3;
	s6 =	simm.s32 @!p1 $0x1082;
	[sflag:s4] =	ssyncset.s32 $0xFFFFF086  }
0x25: {  	[simem:s6], [sflag:s4] =	dma.local [hbm:s3], $0xF7A  }
0x26: {  	[smem:$0x3F9D] =	sst s1;
	(tag) =	ssettag s2;
	_ =	strace s9  }
0x27: {  	s1 =	sld [smem:$0x3FAD]  }
0x28: {  	s2 =	sld [smem:$0x3FAE]  }
0x29: {  	s4 =	sld [smem:$0x3FB0]  }
0x2a: {  	p0 =	seq.s32 s5, $0x0;
	s5 =	sld [smem:$0x3FB1]  }
0x2b: {  	s6 =	sld [smem:$0x3FB2]  }
0x2c: {  	s7 =	sld [smem:$0x3FB3]  }
0x2d: {  	s3 =	simm.s32 $0x108;
	s8 =	sld [smem:$0x3FB4]  }
0x2e: {  	s3 =	simm.s32 @!p0 $0x1082;
	s9 =	sld [smem:$0x3FB5]  }
0x2f: {  	lr =	sadd.s32 s0, s3;
	s0 =	sld [smem:$0x3FAC]  }
0x30: {  	s3 =	sld [smem:$0x3FAF]  }
0x31: {  	[smem:$0x3FB8] =	sst s10  }
0x32: {  	s10 =	sld [smem:$0x3FB6];
	_ =	sdelay $0x3  }
0x33: {  	p0 =	seq.s32 s10, $0x1;
	s10 =	sld [smem:$0x3FB8];
	_ =	sdelay $0x3  }
0x34: {  	[smem:$0x3FB8] =	sst s10  }
0x35: {  	s10 =	sld [smem:$0x3FB7];
	_ =	sdelay $0x3  }
0x36: {  	p1 =	seq.s32 s10, $0x1;
	s10 =	sld [smem:$0x3FB8];
	_ =	sdelay $0x3  }
0x37: {  	[smem:$0x3FB8] =	sst s10  }
0x38: {  	s10 =	sld [smem:$0x3FB9]  }
0x39: {  	_ = 	snop;
	(pc) =	sbr.ind lr, $3  }
0x3a: {  	_ = 	snop  }
0x3b: {  	_ = 	snop  }
0x3c: {  	p2 =	seq.s32 s10, $0x1;
	s10 =	sld [smem:$0x3FB8]  }
0x3d: {  	_ =	shalt  }
0x3e: {  	_ =	shalt  }
0x3f: {  	_ =	shalt  }
0x40: {  	_ =	shalt  }
0x41: {  	_ =	shalt  }
0x42: {  	_ =	shalt  }
0x43: {  	_ =	shalt  }
0x44: {  	_ =	shalt  }
0x45: {  	_ =	shalt  }
0x46: {  	_ =	shalt  }
0x47: {  	_ =	shalt  }
0x48: {  	_ =	shalt  }
0x49: {  	_ =	shalt  }
0x4a: {  	_ =	shalt  }
0x4b: {  	_ =	shalt  }
0x4c: {  	_ =	shalt  }
0x4d: {  	_ =	shalt  }
0x4e: {  	_ =	shalt  }
0x4f: {  	_ =	shalt  }
0x50: {  	_ =	shalt  }
0x51: {  	_ =	shalt  }
0x52: {  	_ =	shalt  }
0x53: {  	_ =	shalt  }
0x54: {  	_ =	shalt  }
0x55: {  	_ =	shalt  }
0x56: {  	_ =	shalt  }
0x57: {  	_ =	shalt  }
0x58: {  	_ =	shalt  }
0x59: {  	_ =	shalt  }
0x5a: {  	_ =	shalt  }
0x5b: {  	_ =	shalt  }
0x5c: {  	_ =	shalt  }
0x5d: {  	_ =	shalt  }
0x5e: {  	_ =	shalt  }
0x5f: {  	_ =	shalt  }
0x60: {  	_ =	shalt  }
0x61: {  	_ =	shalt  }
0x62: {  	_ =	shalt  }
0x63: {  	_ =	shalt  }
0x64: {  	_ =	shalt  }
0x65: {  	_ =	shalt  }
0x66: {  	_ =	shalt  }
0x67: {  	_ =	shalt  }
0x68: {  	_ =	shalt  }
0x69: {  	_ =	shalt  }
0x6a: {  	_ =	shalt  }
0x6b: {  	_ =	shalt  }
0x6c: {  	_ =	shalt  }
0x6d: {  	_ =	shalt  }
0x6e: {  	_ =	shalt  }
0x6f: {  	_ =	shalt  }
0x70: {  	_ =	shalt  }
0x71: {  	_ =	shalt  }
0x72: {  	_ =	shalt  }
0x73: {  	_ =	shalt  }
0x74: {  	_ =	shalt  }
0x75: {  	_ =	shalt  }
0x76: {  	_ =	shalt  }
0x77: {  	_ =	shalt  }
0x78: {  	_ =	shalt  }
0x79: {  	_ =	shalt  }
0x7a: {  	_ =	shalt  }
0x7b: {  	_ =	shalt  }
0x7c: {  	_ =	shalt  }
0x7d: {  	_ =	shalt  }
0x7e: {  	_ =	shalt  }
0x7f: {  	_ =	shalt  }
0x80: {  	_ =	shalt  }
0x81: {  	_ =	shalt  }
0x82: {  	_ =	shalt  }
0x83: {  	_ =	shalt  }
0x84: {  	_ =	shalt  }
0x85: {  	_ =	shalt  }
0x86: {  	_ =	shalt  }
0x87: {  	_ =	shalt  }
.Lfunc_end0:
.L_simem_size_0:
called_computation_lowered:
.L_overlay_start_0:
0x88: {  	s2 =	sld [smem:$0x3FD9]  }
0x89: {  	s3 =	sld [smem:$0x3FFE];
	_ =	sdelay $0x1  }
0x8a: {  	s1 =	srdreg.scid  }
0x8b: {  	s0 =	sand.u32 $0x1, s1  }
0x8c: {  	s17 =	sshll.u32 s0, $0xA;
	s2 =	sadd.s32 s3, s2  }
0x8d: {  	s2 =	sadd.s32 s2, s17  }
0x8e: {  	[smem:$0x3FC4] =	sst s2  }
0x8f: {  	_ = 	snop  }
0x90: {  	s2 =	sld [smem:$0x3FC9]  }
0x91: {  	s18 =	sld [smem:$0x3FD0];
	(tm) =	ssettm $0x1  }
0x92: {  	s4 =	sld [smem:$0x3FFB];
	_ =	sdelay $0x3  }
0x93: {  	_ =	strace s4  }
0x94: {  	s4 =	sld [smem:$0x3FFC];
	_ =	sdelay $0x3  }
0x95: {  	_ =	strace s4  }
0x96: {  	s4 =	sld [smem:$0x3FFD];
	_ =	sdelay $0x3  }
0x97: {  	_ =	strace s4  }
0x98: {  	_ =	strace $0x8FFFFFFF  }
0x99: {  	s19 =	sld [smem:$0x3FDB];
	_ =	sdelay $0x1  }
0x9a: {  	s5 =	simm.s32 $_scs_section_size  }
0x9b: {  	s6 =	simm.s32 $_size__tile_overlayer_lowered;
	s7 =	simm.s32 $_tile_overlayer_lowered  }
0x9c: {  	s22 =	simm.s32 $0x1BFF;
	s21 =	sshll.u32 s7, $0x1;
	s4 =	sadd.s32 s5, s19  }
0x9d: {  	s8 =	simm.s32 $0x0;
	s20 =	sshll.u32 s6, $0x1;
	s6 =	sadd.s32 s21, s4  }
0x9e: {  	[timem:s8], [sflag:s22] =	dma.local [hbm:s6], s20  }
0x9f: {  	_ =	swait.ge [sflag:s22], s20  }
0xa0: {  	s5 =	ssub.s32 $0x0, s20;
	[sflag:s22] =	ssyncset.done $0x0  }
0xa1: {  	[sflag:s22] =	ssyncadd.s32 s5;
	_ =	sdelay $0x1  }
0xa2: {  	s23 =	simm.s32 $0x1B8B  }
0xa3: {  	_ =	swait.ge [sflag:s23], $0x1  }
0xa4: {  	[sflag:s23] =	ssyncset.done $0x0  }
0xa5: {  	s25 =	simm.s32 $0x1B8E;
	s24 =	sld [smem:$0x3FFE];
	[sflag:s23] =	ssyncadd.s32 $0xFFFFFFFF  }
0xa6: {  	s26 =	simm.s32 $execute0_lowered;
	[smem:$0x3FD2] =	sst s25  }
0xa7: {  	s6 =	sshll.u32 s26, $0x1;
	_ =	strace $0x80000046;
	[dreg:$0x1] =	wrdreg $0xFFFFFFFF  }
0xa8: {  	s28 =	simm.s32 $_size_execute0_lowered;
	s4 =	sadd.s32 s4, s6;
	[dreg:$0x0] =	wrdreg $0x0  }
0xa9: {  	s6 =	sshll.u32 s28, $0x1;
	[dreg:$0x2] =	wrdreg s4  }
0xaa: {  	[dreg:$0x3] =	wrdreg s6  }
0xab: {  	[dreg:$0x4] =	wrdreg $0xC0  }
0xac: {  	_ =	task [dreg:s8], $0x5FFFF  }
0xad: {  	[dreg:$0x1] =	wrdreg $0xFFFFFFFF  }
0xae: {  	[dreg:$0x0] =	wrdreg $0x60  }
0xaf: {  	[dreg:$0x2] =	wrdreg s2  }
0xb0: {  	[dreg:$0x3] =	wrdreg s18  }
0xb1: {  	[dreg:$0x4] =	wrdreg s24  }
0xb2: {  	[dreg:$0x5] =	wrdreg $0xA2D00  }
0xb3: {  	[dreg:$0x6] =	wrdreg $0x1E2D00  }
0xb4: {  	[dreg:$0x7] =	wrdreg $0x9  }
0xb5: {  	_ =	task.clear_ibuf [dreg:s8], $0x8FFFF;
	_ =	strace $0x90000046  }
0xb6: {  	s29 =	simm.s32 $0x9;
	_ =	strace $0x80000048  }
0xb7: {  	_ =	swait.ge [sflag:s29], $0x1  }
0xb8: {  	[sflag:s29] =	ssyncadd.s32 $0xFFFFFFFF  }
0xb9: {  	_ =	strace $0x90000048  }
0xba: {  	_ =	sfence  }
0xbb: {  	s30 =	sld [smem:$0x0];
	_ =	sdelay $0x2  }
0xbc: {  	s31 =	sshll.u32 s1, $0xD;
	s1 =	sshrl.u32 s1, $0x2  }
0xbd: {  	s3 =	sand.u32 $0x4000, s31;
	s1 =	sadd.s32 s1, s30  }
0xbe: {  	s0 =	sor.u32 s3, s0;
	s1 =	sshll.u32 s1, $0x11  }
0xbf: {  	s0 =	sor.u32 s1, s0  }
0xc0: {  	s0 =	sadd.s32 $0x8F2B, s0  }
0xc1: {  	[sflag:s0] =	ssyncadd.remote.s32 $0x1  }
0xc2: {  	_ =	sfence.sel $0xFFFF  }
0xc3: {  	[dreg:$0x0] =	wrdreg $0xFFFFFFFF;
	(pc) =	sbr.abs _section_cstart, $3  }
0xc4: {  	[dreg:$0x1] =	wrdreg $0xFFFFFFFF  }
0xc5: {  	_ =	task.clear_ibuf [dreg:s8], $0x2FFFF;
	_ =	strace $0x9FFFFFFF  }
0xc6: {  	(tm) =	ssettm $0x7FFFFFFF  }
0xc7: {  	_ =	shalt  }
tec
execute0_lowered:
.L_overlay_start_1:
0x0: {  	(tag) =	ssettag $0x1  }
0x1: {  	s1 =	rddreg [dreg:$0x0]  }
0x2: {  	s0 =	rddreg [dreg:$0x1]  }
0x3: {  	s6 =	rddreg [dreg:$0x2]  }
0x4: {  	s2 =	rddreg [dreg:$0x3]  }
0x5: {  	s3 =	rddreg [dreg:$0x4];
	s4 =	simm.s32 $0x0  }
0x6: {  	s7 =	srdreg.scid;
	s5 =	stileid.u32;
	s28 =	simm.s32 $0x3  }
0x7: {  	s29 =	simm.s32 $0x5280;
	s30 =	simm.s32 $0x4;
	s31 =	simm.s32 $0x7A80  }
0x8: {  	[smem:$0x7FF] =	sst s4;
	s7 =	sand.u32 $0x1, s7;
	s8 =	smul.u32 $0x14000, s5  }
0x9: {  	s11 =	sadd.s32 $0x1400, s6;
	s12 =	sadd.s32 $0xE00, s6;
	s14 =	smul.u32 $0x2710, s5  }
0xa: {  	s19 =	sshll.u32 s5, $0x6;
	p0 =	sne.s32 s5, $0x0;
	_ =	strace $0x80000047  }
0xb: {  	s9 =	smul.u32 $0x140000, s7;
	s10 =	sshll.u32 s7, $0x4;
	[dreg:$0xe] =	wrdreg s11  }
0xc: {  	s17 =	smul.u32 $0x500, s7;
	[dreg:$0xf] =	wrdreg s12;
	s18 =	ssub.s32 $0x2, s7  }
0xd: {  	s7 =	smul.u32 $0x27100, s7;
	s10 =	sor.u32 s5, s10;
	s13 =	sshrl.u32 s18, $0x1  }
0xe: {  	s5 =	simm.s32 $0x6;
	s9 =	sadd.s32 s8, s9;
	s10 =	smul.u32 $0x2710, s10  }
0xf: {  	s11 =	ssub.s32 s18, s13;
	s8 =	sadd.s32 s8, s2;
	s13 =	sadd.s32 s14, s7  }
0x10: {  	s7 =	sor.u32 $0x1C0A, s19;
	s9 =	sshrl.u32 s9, $0x3;
	s20 =	sadd.s32 $0xF0, s13  }
0x11: {  	s22 =	sadd.s32 $0x4E2F0, s13;
	s26 =	sadd.s32 $0xA0, s13;
	s15 =	sadd.s32 $0x4E2A0, s13  }
0x12: {  	s16 =	sadd.s32 $0x50, s13;
	s9 =	sadd.s32 s9, s6;
	s6 =	sadd.s32 s17, s6  }
0x13: {  	s10 =	sshrl.u32 s10, $0x3;
	s12 =	sshrl.u32 s20, $0x3;
	s24 =	sshrl.u32 s22, $0x3  }
0x14: {  	s14 =	sshrl.u32 s26, $0x3;
	s18 =	sshrl.u32 s16, $0x3;
	s20 =	sadd.s32 $0x4E250, s13  }
0x15: {  	s22 =	sshrl.u32 s13, $0x3;
	s26 =	smax.u32 s11, $0x1;
	s16 =	simm.s32 $0x50  }
0x16: {  	s10 =	sadd.s32 s0, s10;
	s23 =	sadd.s32 s12, s0;
	s25 =	sadd.s32 s24, s0  }
0x17: {  	s12 =	sshrl.u32 s15, $0x3;
	s19 =	sadd.s32 s18, s0;
	[dreg:$0x15] =	wrdreg s26  }
0x18: {  	s9 =	sadd.s32 $0x4600, s9;
	s24 =	sadd.s32 s22, s0;
	[dreg:$0x6] =	wrdreg s23  }
0x19: {  	s6 =	sadd.s32 $0x3C00, s6;
	s15 =	simm.s32 $0x140;
	[dreg:$0x7] =	wrdreg s25  }
0x1a: {  	s18 =	simm.s32 $0xA0;
	s22 =	simm.s32 $0x1;
	[dreg:$0x13] =	wrdreg s9  }
0x1b: {  	s26 =	simm.s32 $0x2A80;
	s21 =	sadd.s32 $0x4D8, s10;
	[dreg:$0xa] =	wrdreg s19  }
0x1c: {  	s10 =	sadd.s32 $0xA118, s10;
	s17 =	sadd.s32 s12, s0;
	[dreg:$0x14] =	wrdreg s6  }
0x1d: {  	s23 =	sadd.s32 $0x4E200, s13;
	[dreg:$0xc] =	wrdreg s24;
	s12 =	sshrl.u32 s8, $0x3  }
0x1e: {  	s13 =	simm.s32 $0xA;
	s19 =	simm.s32 $0x1E0;
	[dreg:$0x11] =	wrdreg s21  }
0x1f: {  	s24 =	simm.s32 $0xA280;
	s6 =	simm.s32 $0x7;
	[dreg:$0x12] =	wrdreg s10  }
0x20: {  	s8 =	simm.s32 $0x8;
	s10 =	sadd.s32 s14, s0;
	[dreg:$0x9] =	wrdreg s17  }
0x21: {  	s21 =	sshrl.u32 s20, $0x3;
	s25 =	sshrl.u32 s23, $0x3;
	s17 =	simm.s32 $0x190  }
0x22: {  	s20 =	simm.s32 $0xF0;
	s23 =	simm.s32 $0x280;
	[dreg:$0x16] =	wrdreg s12  }
0x23: {  	s14 =	simm.s32 $0x0;
	[dreg:$0x8] =	wrdreg s10;
	s9 =	sadd.s32 s21, s0  }
0x24: {  	s0 =	sadd.s32 s25, s0;
	s10 =	smov.u32 s7;
	[dreg:$0xb] =	wrdreg s9  }
0x25: {  	s21 =	simm.s32 $0x230;
	s25 =	simm.s32 $0x2;
	[dreg:$0xd] =	wrdreg s0  }
0x26: {  	v0 =	vimm.f32 $1.000000000e+00;
	s0 =	simm.s32 $0x5;
	s9 =	simm.s32 $0x9;
	[dreg:$0x10] =	wrdreg s10  }
.LBB2_1:
0x27: {  	[dreg:$0x17] =	wrdreg s14  }
0x28: {  	s7 =	rddreg [dreg:$0xe]  }
0x29: {  	[spmem:s12], [sflag:s10] =	dma.local [hbm:s7], $0x2800  }
0x2a: {  	s11 =	sshrl.u32 @!p0 s3, $0x3;
	_ =	swait.ge [sflag:s13], $0x2800  }
0x2b: {  	[dreg:$0x18] =	wrdreg s11;
	[sflag:s13] =	ssyncset.done $0x0  }
0x2c: {  	s12 =	simm.s32 @!p0 $0xA;
	s7 =	rddreg [dreg:$0xf];
	[sflag:s13] =	ssyncadd.s32 $0xFFFFD800  }
0x2d: {  	[spmem:s11], [sflag:s10] =	dma.local @!p0 [hbm:s7], $0x500  }
0x2e: {  	_ =	swait.ge @!p0 [sflag:s12], $0x500  }
0x2f: {  	[sflag:s12] =	ssyncset.done @!p0 $0x0  }
0x30: {  	[sflag:s12] =	ssyncadd.s32 @!p0 $0xFFFFFB00  }
0x31: {  	[tilespmem:$0xA280] =	vst v0  }
0x32: {  	[tilespmem:$0xA290] =	vst v0  }
0x33: {  	[tilespmem:$0xA2A0] =	vst v0  }
0x34: {  	[tilespmem:$0xA2B0] =	vst v0  }
0x35: {  	[tilespmem:$0xA2C0] =	vst v0  }
0x36: {  	[bflag:$0x0] =	sbarrier.arrive $0xFFFF  }
0x37: {  	s7 =	rddreg [dreg:$0xc]  }
0x38: {  	s10 =	rddreg [dreg:$0xd];
	s12 =	sadd.s32 $0x0, s7  }
0x39: {  	[tilespmem:s4], [sflag:$0x1] =	stream.linear.gather [hbm4b:s12+s4], $0x50, $0x38;
	[tilespmem:$0x1E550] =	vst v63  }
0x3a: {  	s11 =	rddreg [dreg:$0xa];
	s13 =	sadd.s32 $0x0, s10  }
0x3b: {  	[tilespmem:s15], [sflag:$0x1] =	stream.linear.gather [hbm4b:s13+s4], $0x50, $0x38;
	[tilespmem:$0x1E550] =	vst v63  }
0x3c: {  	s7 =	rddreg [dreg:$0xb];
	s10 =	sadd.s32 $0x0, s11  }
0x3d: {  	[tilespmem:s16], [sflag:$0x2] =	stream.linear.gather [hbm4b:s10+s4], $0x50, $0x38;
	[tilespmem:$0x1E550] =	vst v63  }
0x3e: {  	s11 =	rddreg [dreg:$0x8];
	s13 =	sadd.s32 $0x0, s7  }
0x3f: {  	[tilespmem:s17], [sflag:$0x2] =	stream.linear.gather [hbm4b:s13+s4], $0x50, $0x38;
	[tilespmem:$0x1E550] =	vst v63  }
0x40: {  	s7 =	rddreg [dreg:$0x9];
	s10 =	sadd.s32 $0x0, s11  }
0x41: {  	[tilespmem:s18], [sflag:$0x3] =	stream.linear.gather [hbm4b:s10+s4], $0x50, $0x38;
	[tilespmem:$0x1E550] =	vst v63  }
0x42: {  	s7 =	sadd.s32 $0x0, s7;
	s11 =	rddreg [dreg:$0x6]  }
0x43: {  	[tilespmem:s19], [sflag:$0x3] =	stream.linear.gather [hbm4b:s7+s4], $0x50, $0x38;
	[tilespmem:$0x1E550] =	vst v63  }
0x44: {  	s11 =	sadd.s32 $0x0, s11;
	s10 =	rddreg [dreg:$0x7]  }
0x45: {  	[tilespmem:s20], [sflag:$0x4] =	stream.linear.gather [hbm4b:s11+s4], $0x50, $0x38;
	[tilespmem:$0x1E550] =	vst v63  }
0x46: {  	s14 =	sadd.s32 $0x0, s10  }
0x47: {  	[tilespmem:s21], [sflag:$0x4] =	stream.linear.gather [hbm4b:s14+s4], $0x50, $0x38;
	[tilespmem:$0x1E550] =	vst v63  }
0x48: {  	_ =	swait.ge [sflag:s22], $0x50  }
0x49: {  	[sflag:s22] =	ssyncset.done $0x0  }
0x4a: {  	[sflag:s22] =	ssyncadd.s32 $0xFFFFFFB0  }
0x4b: {  	_ =	swait.ge [sflag:s22], $0x50  }
0x4c: {  	[sflag:s22] =	ssyncset.done $0x0  }
0x4d: {  	[sflag:s22] =	ssyncadd.s32 $0xFFFFFFB0  }
0x4e: {  	[tilespmem:s23], [sflag:$0x5] =	stream.indirect.gather [hbm4b:s1+s16], $0x80, s4, s16, $0xb8;
	[tilespmem:$0x1E550] =	vst v63  }
0x4f: {  	_ = 	snop  }
0x50: {  	[spmem:s3] =	stream.indirect.scatter.add.f32 [tilespmem:s24], [sflag:$0x9], $0x1, s15, s16, $0xb8;
	[tilespmem:$0x1E550] =	vst v63  }
0x51: {  	_ =	swait.ge [sflag:s25], $0x50  }
0x52: {  	[sflag:s25] =	ssyncset.done $0x0  }
0x53: {  	[sflag:s25] =	ssyncadd.s32 $0xFFFFFFB0  }
0x54: {  	_ =	swait.ge [sflag:s25], $0x50  }
0x55: {  	[sflag:s25] =	ssyncset.done $0x0  }
0x56: {  	[sflag:s25] =	ssyncadd.s32 $0xFFFFFFB0  }
0x57: {  	[tilespmem:s26], [sflag:$0x6] =	stream.indirect.gather [hbm4b:s1+s16], $0x80, s16, s16, $0xb8;
	[tilespmem:$0x1E550] =	vst v63  }
0x58: {  	_ = 	snop  }
0x59: {  	[spmem:s3] =	stream.indirect.scatter.add.f32 [tilespmem:s24], [sflag:$0x9], $0x1, s17, s16, $0xb8;
	[tilespmem:$0x1E550] =	vst v63  }
0x5a: {  	_ =	swait.ge [sflag:s28], $0x50  }
0x5b: {  	[sflag:s28] =	ssyncset.done $0x0  }
0x5c: {  	[sflag:s28] =	ssyncadd.s32 $0xFFFFFFB0  }
0x5d: {  	_ =	swait.ge [sflag:s28], $0x50  }
0x5e: {  	[sflag:s28] =	ssyncset.done $0x0  }
0x5f: {  	[sflag:s28] =	ssyncadd.s32 $0xFFFFFFB0  }
0x60: {  	[tilespmem:s29], [sflag:$0x7] =	stream.indirect.gather [hbm4b:s1+s16], $0x80, s18, s16, $0xb8;
	[tilespmem:$0x1E550] =	vst v63  }
0x61: {  	_ = 	snop  }
0x62: {  	[spmem:s3] =	stream.indirect.scatter.add.f32 [tilespmem:s24], [sflag:$0x9], $0x1, s19, s16, $0xb8;
	[tilespmem:$0x1E550] =	vst v63  }
0x63: {  	_ =	swait.ge [sflag:s30], $0x50  }
0x64: {  	[sflag:s30] =	ssyncset.done $0x0  }
0x65: {  	[sflag:s30] =	ssyncadd.s32 $0xFFFFFFB0  }
0x66: {  	_ =	swait.ge [sflag:s30], $0x50  }
0x67: {  	[sflag:s30] =	ssyncset.done $0x0  }
0x68: {  	[sflag:s30] =	ssyncadd.s32 $0xFFFFFFB0  }
0x69: {  	[tilespmem:s31], [sflag:$0x8] =	stream.indirect.gather [hbm4b:s1+s16], $0x80, s20, s16, $0xb8;
	[tilespmem:$0x1E550] =	vst v63  }
0x6a: {  	_ = 	snop  }
0x6b: {  	[spmem:s3] =	stream.indirect.scatter.add.f32 [tilespmem:s24], [sflag:$0x9], $0x1, s21, s16, $0xb8;
	[tilespmem:$0x1E550] =	vst v63  }
0x6c: {  	_ =	swait.ge [sflag:s0], $0x2800  }
0x6d: {  	[sflag:s0] =	ssyncset.done $0x0  }
0x6e: {  	[sflag:s0] =	ssyncadd.s32 $0xFFFFD800  }
0x6f: {  	[spmem:s2] =	stream.indirect.scatter.add.f32 [tilespmem:s23], [sflag:$0x9], $0x80, s15, s16, $0xb8;
	[tilespmem:$0x1E550] =	vst v63  }
0x70: {  	_ =	swait.ge [sflag:s5], $0x2800  }
0x71: {  	[sflag:s5] =	ssyncset.done $0x0  }
0x72: {  	[sflag:s5] =	ssyncadd.s32 $0xFFFFD800  }
0x73: {  	[spmem:s2] =	stream.indirect.scatter.add.f32 [tilespmem:s26], [sflag:$0x9], $0x80, s17, s16, $0xb8;
	[tilespmem:$0x1E550] =	vst v63  }
0x74: {  	_ =	swait.ge [sflag:s6], $0x2800  }
0x75: {  	[sflag:s6] =	ssyncset.done $0x0  }
0x76: {  	[sflag:s6] =	ssyncadd.s32 $0xFFFFD800  }
0x77: {  	[spmem:s2] =	stream.indirect.scatter.add.f32 [tilespmem:s29], [sflag:$0x9], $0x80, s19, s16, $0xb8;
	[tilespmem:$0x1E550] =	vst v63  }
0x78: {  	_ =	swait.ge [sflag:s8], $0x2800  }
0x79: {  	[sflag:s8] =	ssyncset.done $0x0  }
0x7a: {  	[sflag:s8] =	ssyncadd.s32 $0xFFFFD800  }
0x7b: {  	[spmem:s2] =	stream.indirect.scatter.add.f32 [tilespmem:s31], [sflag:$0x9], $0x80, s21, s16, $0xb8;
	[tilespmem:$0x1E550] =	vst v63  }
0x7c: {  	_ =	swait.ge [sflag:s9], $0x50  }
0x7d: {  	[sflag:s9] =	ssyncset.done $0x0  }
0x7e: {  	[sflag:s9] =	ssyncadd.s32 $0xFFFFFFB0  }
0x7f: {  	_ =	swait.ge [sflag:s9], $0x50  }
0x80: {  	[sflag:s9] =	ssyncset.done $0x0  }
0x81: {  	[sflag:s9] =	ssyncadd.s32 $0xFFFFFFB0  }
0x82: {  	_ =	swait.ge [sflag:s9], $0x50  }
0x83: {  	[sflag:s9] =	ssyncset.done $0x0  }
0x84: {  	[sflag:s9] =	ssyncadd.s32 $0xFFFFFFB0  }
0x85: {  	_ =	swait.ge [sflag:s9], $0x50  }
0x86: {  	[sflag:s9] =	ssyncset.done $0x0  }
0x87: {  	[sflag:s9] =	ssyncadd.s32 $0xFFFFFFB0  }
0x88: {  	_ =	swait.ge [sflag:s9], $0x2800  }
0x89: {  	[sflag:s9] =	ssyncset.done $0x0  }
0x8a: {  	[sflag:s9] =	ssyncadd.s32 $0xFFFFD800  }
0x8b: {  	_ =	swait.ge [sflag:s9], $0x2800  }
0x8c: {  	[sflag:s9] =	ssyncset.done $0x0  }
0x8d: {  	[sflag:s9] =	ssyncadd.s32 $0xFFFFD800  }
0x8e: {  	_ =	swait.ge [sflag:s9], $0x2800  }
0x8f: {  	[sflag:s9] =	ssyncset.done $0x0  }
0x90: {  	[sflag:s9] =	ssyncadd.s32 $0xFFFFD800  }
0x91: {  	s12 =	simm.s32 $0x28;
	_ =	swait.ge [sflag:s9], $0x2800  }
0x92: {  	s13 =	simm.s32 $0x50;
	s14 =	rddreg [dreg:$0xc];
	[sflag:s9] =	ssyncset.done $0x0  }
.LBB2_2:
0x93: {  	[sflag:s9] =	ssyncadd.s32 $0xFFFFD800;
	s7 =	rddreg [dreg:$0xd];
	s14 =	sadd.s32 s12, s14  }
0x94: {  	[tilespmem:s4], [sflag:$0x1] =	stream.linear.gather [hbm4b:s14+s4], $0x50, $0x38;
	[tilespmem:$0x1E550] =	vst v63  }
0x95: {  	s10 =	rddreg [dreg:$0xa];
	s7 =	sadd.s32 s12, s7  }
0x96: {  	[tilespmem:s15], [sflag:$0x1] =	stream.linear.gather [hbm4b:s7+s4], $0x50, $0x38;
	[tilespmem:$0x1E550] =	vst v63  }
0x97: {  	s14 =	rddreg [dreg:$0xb];
	s7 =	sadd.s32 s12, s10  }
0x98: {  	[tilespmem:s16], [sflag:$0x2] =	stream.linear.gather [hbm4b:s7+s4], $0x50, $0x38;
	[tilespmem:$0x1E550] =	vst v63  }
0x99: {  	s10 =	rddreg [dreg:$0x8];
	s7 =	sadd.s32 s12, s14  }
0x9a: {  	[tilespmem:s17], [sflag:$0x2] =	stream.linear.gather [hbm4b:s7+s4], $0x50, $0x38;
	[tilespmem:$0x1E550] =	vst v63  }
0x9b: {  	s14 =	rddreg [dreg:$0x9];
	s7 =	sadd.s32 s12, s10  }
0x9c: {  	[tilespmem:s18], [sflag:$0x3] =	stream.linear.gather [hbm4b:s7+s4], $0x50, $0x38;
	[tilespmem:$0x1E550] =	vst v63  }
0x9d: {  	s10 =	rddreg [dreg:$0x6];
	s7 =	sadd.s32 s12, s14  }
0x9e: {  	[tilespmem:s19], [sflag:$0x3] =	stream.linear.gather [hbm4b:s7+s4], $0x50, $0x38;
	[tilespmem:$0x1E550] =	vst v63  }
0x9f: {  	s10 =	sadd.s32 s12, s10;
	s14 =	rddreg [dreg:$0x7]  }
0xa0: {  	[tilespmem:s20], [sflag:$0x4] =	stream.linear.gather [hbm4b:s10+s4], $0x50, $0x38;
	[tilespmem:$0x1E550] =	vst v63  }
0xa1: {  	s14 =	sadd.s32 s12, s14  }
0xa2: {  	[tilespmem:s21], [sflag:$0x4] =	stream.linear.gather [hbm4b:s14+s4], $0x50, $0x38;
	[tilespmem:$0x1E550] =	vst v63  }
0xa3: {  	_ =	swait.ge [sflag:s22], $0x50  }
0xa4: {  	[sflag:s22] =	ssyncset.done $0x0  }
0xa5: {  	[sflag:s22] =	ssyncadd.s32 $0xFFFFFFB0  }
0xa6: {  	_ =	swait.ge [sflag:s22], $0x50  }
0xa7: {  	[sflag:s22] =	ssyncset.done $0x0  }
0xa8: {  	[sflag:s22] =	ssyncadd.s32 $0xFFFFFFB0  }
0xa9: {  	[tilespmem:s23], [sflag:$0x5] =	stream.indirect.gather [hbm4b:s1+s16], $0x80, s4, s16, $0xb8;
	[tilespmem:$0x1E550] =	vst v63  }
0xaa: {  	_ = 	snop  }
0xab: {  	[spmem:s3] =	stream.indirect.scatter.add.f32 [tilespmem:s24], [sflag:$0x9], $0x1, s15, s16, $0xb8;
	[tilespmem:$0x1E550] =	vst v63  }
0xac: {  	_ =	swait.ge [sflag:s25], $0x50  }
0xad: {  	[sflag:s25] =	ssyncset.done $0x0  }
0xae: {  	[sflag:s25] =	ssyncadd.s32 $0xFFFFFFB0  }
0xaf: {  	_ =	swait.ge [sflag:s25], $0x50  }
0xb0: {  	[sflag:s25] =	ssyncset.done $0x0  }
0xb1: {  	[sflag:s25] =	ssyncadd.s32 $0xFFFFFFB0  }
0xb2: {  	[tilespmem:s26], [sflag:$0x6] =	stream.indirect.gather [hbm4b:s1+s16], $0x80, s16, s16, $0xb8;
	[tilespmem:$0x1E550] =	vst v63  }
0xb3: {  	_ = 	snop  }
0xb4: {  	[spmem:s3] =	stream.indirect.scatter.add.f32 [tilespmem:s24], [sflag:$0x9], $0x1, s17, s16, $0xb8;
	[tilespmem:$0x1E550] =	vst v63  }
0xb5: {  	_ =	swait.ge [sflag:s28], $0x50  }
0xb6: {  	[sflag:s28] =	ssyncset.done $0x0  }
0xb7: {  	[sflag:s28] =	ssyncadd.s32 $0xFFFFFFB0  }
0xb8: {  	_ =	swait.ge [sflag:s28], $0x50  }
0xb9: {  	[sflag:s28] =	ssyncset.done $0x0  }
0xba: {  	[sflag:s28] =	ssyncadd.s32 $0xFFFFFFB0  }
0xbb: {  	[tilespmem:s29], [sflag:$0x7] =	stream.indirect.gather [hbm4b:s1+s16], $0x80, s18, s16, $0xb8;
	[tilespmem:$0x1E550] =	vst v63  }
0xbc: {  	_ = 	snop  }
0xbd: {  	[spmem:s3] =	stream.indirect.scatter.add.f32 [tilespmem:s24], [sflag:$0x9], $0x1, s19, s16, $0xb8;
	[tilespmem:$0x1E550] =	vst v63  }
0xbe: {  	_ =	swait.ge [sflag:s30], $0x50  }
0xbf: {  	[sflag:s30] =	ssyncset.done $0x0  }
0xc0: {  	[sflag:s30] =	ssyncadd.s32 $0xFFFFFFB0  }
0xc1: {  	_ =	swait.ge [sflag:s30], $0x50  }
0xc2: {  	[sflag:s30] =	ssyncset.done $0x0  }
0xc3: {  	[sflag:s30] =	ssyncadd.s32 $0xFFFFFFB0  }
0xc4: {  	[tilespmem:s31], [sflag:$0x8] =	stream.indirect.gather [hbm4b:s1+s16], $0x80, s20, s16, $0xb8;
	[tilespmem:$0x1E550] =	vst v63  }
0xc5: {  	_ = 	snop  }
0xc6: {  	[spmem:s3] =	stream.indirect.scatter.add.f32 [tilespmem:s24], [sflag:$0x9], $0x1, s21, s16, $0xb8;
	[tilespmem:$0x1E550] =	vst v63  }
0xc7: {  	_ =	swait.ge [sflag:s0], $0x2800  }
0xc8: {  	[sflag:s0] =	ssyncset.done $0x0  }
0xc9: {  	[sflag:s0] =	ssyncadd.s32 $0xFFFFD800  }
0xca: {  	[spmem:s2] =	stream.indirect.scatter.add.f32 [tilespmem:s23], [sflag:$0x9], $0x80, s15, s16, $0xb8;
	[tilespmem:$0x1E550] =	vst v63  }
0xcb: {  	_ =	swait.ge [sflag:s5], $0x2800  }
0xcc: {  	[sflag:s5] =	ssyncset.done $0x0  }
0xcd: {  	[sflag:s5] =	ssyncadd.s32 $0xFFFFD800  }
0xce: {  	[spmem:s2] =	stream.indirect.scatter.add.f32 [tilespmem:s26], [sflag:$0x9], $0x80, s17, s16, $0xb8;
	[tilespmem:$0x1E550] =	vst v63  }
0xcf: {  	_ =	swait.ge [sflag:s6], $0x2800  }
0xd0: {  	[sflag:s6] =	ssyncset.done $0x0  }
0xd1: {  	[sflag:s6] =	ssyncadd.s32 $0xFFFFD800  }
0xd2: {  	[spmem:s2] =	stream.indirect.scatter.add.f32 [tilespmem:s29], [sflag:$0x9], $0x80, s19, s16, $0xb8;
	[tilespmem:$0x1E550] =	vst v63  }
0xd3: {  	_ =	swait.ge [sflag:s8], $0x2800  }
0xd4: {  	[sflag:s8] =	ssyncset.done $0x0  }
0xd5: {  	[sflag:s8] =	ssyncadd.s32 $0xFFFFD800  }
0xd6: {  	[spmem:s2] =	stream.indirect.scatter.add.f32 [tilespmem:s31], [sflag:$0x9], $0x80, s21, s16, $0xb8;
	[tilespmem:$0x1E550] =	vst v63  }
0xd7: {  	_ =	swait.ge [sflag:s9], $0x50  }
0xd8: {  	[sflag:s9] =	ssyncset.done $0x0  }
0xd9: {  	[sflag:s9] =	ssyncadd.s32 $0xFFFFFFB0  }
0xda: {  	_ =	swait.ge [sflag:s9], $0x50  }
0xdb: {  	[sflag:s9] =	ssyncset.done $0x0  }
0xdc: {  	[sflag:s9] =	ssyncadd.s32 $0xFFFFFFB0  }
0xdd: {  	_ =	swait.ge [sflag:s9], $0x50  }
0xde: {  	[sflag:s9] =	ssyncset.done $0x0  }
0xdf: {  	[sflag:s9] =	ssyncadd.s32 $0xFFFFFFB0  }
0xe0: {  	_ =	swait.ge [sflag:s9], $0x50  }
0xe1: {  	[sflag:s9] =	ssyncset.done $0x0  }
0xe2: {  	[sflag:s9] =	ssyncadd.s32 $0xFFFFFFB0  }
0xe3: {  	_ =	swait.ge [sflag:s9], $0x2800  }
0xe4: {  	[sflag:s9] =	ssyncset.done $0x0  }
0xe5: {  	[sflag:s9] =	ssyncadd.s32 $0xFFFFD800  }
0xe6: {  	_ =	swait.ge [sflag:s9], $0x2800  }
0xe7: {  	[sflag:s9] =	ssyncset.done $0x0  }
0xe8: {  	p1 =	sne.s32 s13, $0x4B0;
	[sflag:s9] =	ssyncadd.s32 $0xFFFFD800  }
.Ltmp0:
0xe9: {  	_ =	swait.ge [sflag:s9], $0x2800;
	(pc) =	sbr.rel @p1 .LBB2_2-.Ltmp0, $4  }
0xea: {  	[sflag:s9] =	ssyncset.done $0x0  }
0xeb: {  	[sflag:s9] =	ssyncadd.s32 $0xFFFFD800  }
0xec: {  	s11 =	smov.u32 s13;
	s13 =	sadd.s32 $0x28, s13;
	_ =	swait.ge [sflag:s9], $0x2800  }
0xed: {  	s12 =	smov.u32 s11;
	s14 =	rddreg [dreg:$0xc];
	[sflag:s9] =	ssyncset.done $0x0  }
0xee: {  	s7 =	rddreg [dreg:$0xd];
	[sflag:s9] =	ssyncadd.s32 $0xFFFFD800;
	s10 =	sadd.s32 s12, s14  }
0xef: {  	[tilespmem:s4], [sflag:$0x1] =	stream.linear.gather [hbm4b:s10+s4], $0x50, $0x38;
	[tilespmem:$0x1E550] =	vst v63  }
0xf0: {  	s13 =	rddreg [dreg:$0xa];
	s7 =	sadd.s32 s12, s7  }
0xf1: {  	[tilespmem:s15], [sflag:$0x1] =	stream.linear.gather [hbm4b:s7+s4], $0x50, $0x38;
	[tilespmem:$0x1E550] =	vst v63  }
0xf2: {  	s14 =	rddreg [dreg:$0xb];
	s10 =	sadd.s32 s12, s13  }
0xf3: {  	[tilespmem:s16], [sflag:$0x2] =	stream.linear.gather [hbm4b:s10+s4], $0x50, $0x38;
	[tilespmem:$0x1E550] =	vst v63  }
0xf4: {  	s11 =	rddreg [dreg:$0x8];
	s7 =	sadd.s32 s12, s14  }
0xf5: {  	[tilespmem:s17], [sflag:$0x2] =	stream.linear.gather [hbm4b:s7+s4], $0x50, $0x38;
	[tilespmem:$0x1E550] =	vst v63  }
0xf6: {  	s13 =	rddreg [dreg:$0x9];
	s10 =	sadd.s32 s12, s11  }
0xf7: {  	[tilespmem:s18], [sflag:$0x3] =	stream.linear.gather [hbm4b:s10+s4], $0x50, $0x38;
	[tilespmem:$0x1E550] =	vst v63  }
0xf8: {  	s14 =	rddreg [dreg:$0x6];
	s7 =	sadd.s32 s12, s13  }
0xf9: {  	[tilespmem:s19], [sflag:$0x3] =	stream.linear.gather [hbm4b:s7+s4], $0x50, $0x38;
	[tilespmem:$0x1E550] =	vst v63  }
0xfa: {  	s11 =	rddreg [dreg:$0x7];
	s10 =	sadd.s32 s12, s14  }
0xfb: {  	[tilespmem:s20], [sflag:$0x4] =	stream.linear.gather [hbm4b:s10+s4], $0x50, $0x38;
	[tilespmem:$0x1E550] =	vst v63  }
0xfc: {  	s7 =	sadd.s32 s12, s11  }
0xfd: {  	[tilespmem:s21], [sflag:$0x4] =	stream.linear.gather [hbm4b:s7+s4], $0x50, $0x38;
	[tilespmem:$0x1E550] =	vst v63  }
0xfe: {  	_ =	swait.ge [sflag:s22], $0x50  }
0xff: {  	[sflag:s22] =	ssyncset.done $0x0  }
0x100: {  	[sflag:s22] =	ssyncadd.s32 $0xFFFFFFB0  }
0x101: {  	_ =	swait.ge [sflag:s22], $0x50  }
0x102: {  	[sflag:s22] =	ssyncset.done $0x0  }
0x103: {  	[sflag:s22] =	ssyncadd.s32 $0xFFFFFFB0  }
0x104: {  	[tilespmem:s23], [sflag:$0x5] =	stream.indirect.gather [hbm4b:s1+s16], $0x80, s4, s16, $0xb8;
	[tilespmem:$0x1E550] =	vst v63  }
0x105: {  	_ = 	snop  }
0x106: {  	[spmem:s3] =	stream.indirect.scatter.add.f32 [tilespmem:s24], [sflag:$0x9], $0x1, s15, s16, $0xb8;
	[tilespmem:$0x1E550] =	vst v63  }
0x107: {  	_ =	swait.ge [sflag:s25], $0x50  }
0x108: {  	[sflag:s25] =	ssyncset.done $0x0  }
0x109: {  	[sflag:s25] =	ssyncadd.s32 $0xFFFFFFB0  }
0x10a: {  	_ =	swait.ge [sflag:s25], $0x50  }
0x10b: {  	[sflag:s25] =	ssyncset.done $0x0  }
0x10c: {  	[sflag:s25] =	ssyncadd.s32 $0xFFFFFFB0  }
0x10d: {  	[tilespmem:s26], [sflag:$0x6] =	stream.indirect.gather [hbm4b:s1+s16], $0x80, s16, s16, $0xb8;
	[tilespmem:$0x1E550] =	vst v63  }
0x10e: {  	_ = 	snop  }
0x10f: {  	[spmem:s3] =	stream.indirect.scatter.add.f32 [tilespmem:s24], [sflag:$0x9], $0x1, s17, s16, $0xb8;
	[tilespmem:$0x1E550] =	vst v63  }
0x110: {  	_ =	swait.ge [sflag:s28], $0x50  }
0x111: {  	[sflag:s28] =	ssyncset.done $0x0  }
0x112: {  	[sflag:s28] =	ssyncadd.s32 $0xFFFFFFB0  }
0x113: {  	_ =	swait.ge [sflag:s28], $0x50  }
0x114: {  	[sflag:s28] =	ssyncset.done $0x0  }
0x115: {  	[sflag:s28] =	ssyncadd.s32 $0xFFFFFFB0  }
0x116: {  	[tilespmem:s29], [sflag:$0x7] =	stream.indirect.gather [hbm4b:s1+s16], $0x80, s18, s16, $0xb8;
	[tilespmem:$0x1E550] =	vst v63  }
0x117: {  	_ = 	snop  }
0x118: {  	[spmem:s3] =	stream.indirect.scatter.add.f32 [tilespmem:s24], [sflag:$0x9], $0x1, s19, s16, $0xb8;
	[tilespmem:$0x1E550] =	vst v63  }
0x119: {  	_ =	swait.ge [sflag:s30], $0x50  }
0x11a: {  	[sflag:s30] =	ssyncset.done $0x0  }
0x11b: {  	[sflag:s30] =	ssyncadd.s32 $0xFFFFFFB0  }
0x11c: {  	_ =	swait.ge [sflag:s30], $0x50  }
0x11d: {  	[sflag:s30] =	ssyncset.done $0x0  }
0x11e: {  	[sflag:s30] =	ssyncadd.s32 $0xFFFFFFB0  }
0x11f: {  	[tilespmem:s31], [sflag:$0x8] =	stream.indirect.gather [hbm4b:s1+s16], $0x80, s20, s16, $0xb8;
	[tilespmem:$0x1E550] =	vst v63  }
0x120: {  	_ = 	snop  }
0x121: {  	[spmem:s3] =	stream.indirect.scatter.add.f32 [tilespmem:s24], [sflag:$0x9], $0x1, s21, s16, $0xb8;
	[tilespmem:$0x1E550] =	vst v63  }
0x122: {  	_ =	swait.ge [sflag:s0], $0x2800  }
0x123: {  	[sflag:s0] =	ssyncset.done $0x0  }
0x124: {  	[sflag:s0] =	ssyncadd.s32 $0xFFFFD800  }
0x125: {  	[spmem:s2] =	stream.indirect.scatter.add.f32 [tilespmem:s23], [sflag:$0x9], $0x80, s15, s16, $0xb8;
	[tilespmem:$0x1E550] =	vst v63  }
0x126: {  	_ =	swait.ge [sflag:s5], $0x2800  }
0x127: {  	[sflag:s5] =	ssyncset.done $0x0  }
0x128: {  	[sflag:s5] =	ssyncadd.s32 $0xFFFFD800  }
0x129: {  	[spmem:s2] =	stream.indirect.scatter.add.f32 [tilespmem:s26], [sflag:$0x9], $0x80, s17, s16, $0xb8;
	[tilespmem:$0x1E550] =	vst v63  }
0x12a: {  	_ =	swait.ge [sflag:s6], $0x2800  }
0x12b: {  	[sflag:s6] =	ssyncset.done $0x0  }
0x12c: {  	[sflag:s6] =	ssyncadd.s32 $0xFFFFD800  }
0x12d: {  	[spmem:s2] =	stream.indirect.scatter.add.f32 [tilespmem:s29], [sflag:$0x9], $0x80, s19, s16, $0xb8;
	[tilespmem:$0x1E550] =	vst v63  }
0x12e: {  	_ =	swait.ge [sflag:s8], $0x2800  }
0x12f: {  	[sflag:s8] =	ssyncset.done $0x0  }
0x130: {  	[sflag:s8] =	ssyncadd.s32 $0xFFFFD800  }
0x131: {  	[spmem:s2] =	stream.indirect.scatter.add.f32 [tilespmem:s31], [sflag:$0x9], $0x80, s21, s16, $0xb8;
	[tilespmem:$0x1E550] =	vst v63  }
0x132: {  	_ =	swait.ge [sflag:s9], $0x50  }
0x133: {  	[sflag:s9] =	ssyncset.done $0x0  }
0x134: {  	[sflag:s9] =	ssyncadd.s32 $0xFFFFFFB0  }
0x135: {  	_ =	swait.ge [sflag:s9], $0x50  }
0x136: {  	[sflag:s9] =	ssyncset.done $0x0  }
0x137: {  	[sflag:s9] =	ssyncadd.s32 $0xFFFFFFB0  }
0x138: {  	_ =	swait.ge [sflag:s9], $0x50  }
0x139: {  	[sflag:s9] =	ssyncset.done $0x0  }
0x13a: {  	[sflag:s9] =	ssyncadd.s32 $0xFFFFFFB0  }
0x13b: {  	_ =	swait.ge [sflag:s9], $0x50  }
0x13c: {  	[sflag:s9] =	ssyncset.done $0x0  }
0x13d: {  	[sflag:s9] =	ssyncadd.s32 $0xFFFFFFB0  }
0x13e: {  	_ =	swait.ge [sflag:s9], $0x2800  }
0x13f: {  	[sflag:s9] =	ssyncset.done $0x0  }
0x140: {  	[sflag:s9] =	ssyncadd.s32 $0xFFFFD800  }
0x141: {  	_ =	swait.ge [sflag:s9], $0x2800  }
0x142: {  	[sflag:s9] =	ssyncset.done $0x0  }
0x143: {  	[sflag:s9] =	ssyncadd.s32 $0xFFFFD800  }
0x144: {  	_ =	swait.ge [sflag:s9], $0x2800  }
0x145: {  	[sflag:s9] =	ssyncset.done $0x0  }
0x146: {  	[sflag:s9] =	ssyncadd.s32 $0xFFFFD800  }
0x147: {  	_ =	swait.ge [sflag:s9], $0x2800  }
0x148: {  	[sflag:s9] =	ssyncset.done $0x0  }
0x149: {  	s12 =	rddreg [dreg:$0x11];
	[sflag:s9] =	ssyncadd.s32 $0xFFFFD800  }
0x14a: {  	[tilespmem:s4], [sflag:$0x1] =	stream.linear.gather [hbm4b:s12+s4], $0x50, $0x38;
	[tilespmem:$0x1E550] =	vst v63  }
0x14b: {  	s13 =	rddreg [dreg:$0x12]  }
0x14c: {  	[tilespmem:s15], [sflag:$0x1] =	stream.linear.gather [hbm4b:s13+s4], $0x50, $0x38;
	[tilespmem:$0x1E550] =	vst v63  }
0x14d: {  	_ =	swait.ge [sflag:s22], $0x50  }
0x14e: {  	[sflag:s22] =	ssyncset.done $0x0  }
0x14f: {  	[sflag:s22] =	ssyncadd.s32 $0xFFFFFFB0  }
0x150: {  	_ =	swait.ge [sflag:s22], $0x50  }
0x151: {  	[sflag:s22] =	ssyncset.done $0x0  }
0x152: {  	[sflag:s22] =	ssyncadd.s32 $0xFFFFFFB0  }
0x153: {  	[tilespmem:s23], [sflag:$0x5] =	stream.indirect.gather [hbm4b:s1+s16], $0x80, s4, s16, $0xb8;
	[tilespmem:$0x1E550] =	vst v63  }
0x154: {  	_ = 	snop  }
0x155: {  	[spmem:s3] =	stream.indirect.scatter.add.f32 [tilespmem:s24], [sflag:$0x9], $0x1, s15, s16, $0xb8;
	[tilespmem:$0x1E550] =	vst v63  }
0x156: {  	_ =	swait.ge [sflag:s0], $0x2800  }
0x157: {  	[sflag:s0] =	ssyncset.done $0x0  }
0x158: {  	[sflag:s0] =	ssyncadd.s32 $0xFFFFD800  }
0x159: {  	[spmem:s2] =	stream.indirect.scatter.add.f32 [tilespmem:s23], [sflag:$0x9], $0x80, s15, s16, $0xb8;
	[tilespmem:$0x1E550] =	vst v63  }
0x15a: {  	_ =	swait.ge [sflag:s9], $0x50  }
0x15b: {  	[sflag:s9] =	ssyncset.done $0x0  }
0x15c: {  	[sflag:s9] =	ssyncadd.s32 $0xFFFFFFB0  }
0x15d: {  	_ =	swait.ge [sflag:s9], $0x2800  }
0x15e: {  	[sflag:s9] =	ssyncset.done $0x0  }
0x15f: {  	[sflag:s9] =	ssyncadd.s32 $0xFFFFD800  }
0x160: {  	[bflag:$0x0] =	sbarrier.arrive $0xFFFF  }
0x161: {  	s10 =	rddreg [dreg:$0x10]  }
0x162: {  	s14 =	rddreg [dreg:$0x13]  }
0x163: {  	s13 =	simm.s32 $0xA;
	s12 =	rddreg [dreg:$0x16]  }
0x164: {  	[hbm:s14], [sflag:s10] =	dma.local [spmem:s12], $0x2800  }
0x165: {  	_ =	swait.ge [sflag:s13], $0x2800  }
0x166: {  	[sflag:s13] =	ssyncset.done $0x0;
	s7 =	rddreg [dreg:$0x14]  }
0x167: {  	s11 =	rddreg [dreg:$0x18];
	[sflag:s13] =	ssyncadd.s32 $0xFFFFD800  }
0x168: {  	[hbm:s7], [sflag:s10] =	dma.local @!p0 [spmem:s11], $0x500  }
0x169: {  	s7 =	simm.s32 @!p0 $0xA  }
0x16a: {  	_ =	swait.ge @!p0 [sflag:s7], $0x500  }
0x16b: {  	s11 =	rddreg [dreg:$0x17]  }
0x16c: {  	s14 =	sadd.s32 $0x1, s11;
	s11 =	rddreg [dreg:$0x15]  }
0x16d: {  	p1 =	sne.s32 s14, s11  }
.Ltmp1:
0x16e: {  	_ = 	snop;
	(pc) =	sbr.rel @p1 .LBB2_1-.Ltmp1, $3  }
0x16f: {  	_ =	sdelay $0x1  }
0x170: {  	[sflag:s7] =	ssyncset.done @!p0 $0x0  }
0x171: {  	[sflag:s7] =	ssyncadd.s32 @!p0 $0xFFFFFB00  }
0x172: {  	_ =	sfence.sel $0x180000  }
0x173: {  	[bflag:$0x0] =	sbarrier.arrive $0xFFFF  }
0x174: {  	_ =	strace $0x90000047  }
0x175: {  	[bflag:$0x2] =	sbarrier.arrive $0xFFFF  }
0x176: {  	s0 =	rddreg [dreg:$0x5]  }
0x177: {  	s0 =	sadd.s32 @!p0 $0x100000, s0  }
0x178: {  	[sflag:s0] =	ssyncadd.tile.s32 @!p0 $0x1;
	_ =	shalt  }
.Lfunc_end2:
_tile_overlayer_lowered:
.L_overlay_start_2:
0x179: {  	(tag) =	ssettag $0x2  }
0x17a: {  	s0 =	rddreg [dreg:$0x0];
	s2 =	stileid.u32  }
0x17b: {  	s1 =	rddreg [dreg:$0x1];
	p0 =	sne.s32 s2, $0x0  }
0x17c: {  	s3 =	rddreg [dreg:$0x2];
	[bflag:$0x3] =	sbarrier.arrive $0xFFFF;
	s2 =	simm.s32 @!p0 $0x1C0A  }
0x17d: {  	[timem:s3], [sflag:s2] =	dma.local @!p0 [hbm:s0], s1  }
0x17e: {  	s0 =	simm.s32 @!p0 $0xA  }
0x17f: {  	_ =	swait.ge @!p0 [sflag:s0], s1  }
0x180: {  	s1 =	ssub.s32 @!p0 $0x0, s1;
	[sflag:s0] =	ssyncset.done @!p0 $0x0  }
0x181: {  	[sflag:s0] =	ssyncadd.s32 @!p0 s1  }
0x182: {  	[bflag:$0x3] =	sbarrier.arrive $0xFFFF  }
0x183: {  	_ =	shalt  }

</sc_bundles>
